<compile_context>
chip_gen: v7x
topology: tpu7x:2x2x1
jax: 0.10.2.dev20260603
libtpu: 0.0.44.dev20260713+nightly
codegen_flags: <defaults>
</compile_context>

<pallas_src>
import jax
import jax.numpy as jnp
from jax import lax
from jax.experimental import pallas as pl
from jax.experimental.pallas import tpu as pltpu
from jax.experimental.pallas import tpu_sc as plsc

SMOOTHING_VALUE = 0.1
CONFIDENCE_VALUE = 1.0 - SMOOTHING_VALUE
PAD_TOKEN_ID = 0
TRG_VOCAB_SIZE = 32000

BATCH = 4096
SUBLANES = 8
LANES_TC = 128
ROW_TILES = BATCH // SUBLANES
COL_TILES = TRG_VOCAB_SIZE // LANES_TC
RT_BLK = 4

NUM_CORES = 1
NUM_SUBCORES = 16
LANES = 16
NUM_WORKERS = NUM_CORES * NUM_SUBCORES
ROWS_PER_WORKER = BATCH // NUM_WORKERS


def _base_fill_kernel(tok_ref, out_ref):
    fill = SMOOTHING_VALUE / (TRG_VOCAB_SIZE - 2)
    shape = (RT_BLK, COL_TILES, SUBLANES, LANES_TC)
    col = (jax.lax.broadcasted_iota(jnp.int32, shape, 1) * LANES_TC
           + jax.lax.broadcasted_iota(jnp.int32, shape, 3))
    t = tok_ref[:, 0, :][:, None, :, None]
    out_ref[...] = jnp.where(
        (col == PAD_TOKEN_ID) | (t == PAD_TOKEN_ID), 0.0, fill)


SCAT_CHUNK = 128


def _sc_scatter_body(tok_hbm, out_flat_ref, tok_v,
                     idx_a, idx_b, val_a, val_b, sem):
    wid = lax.axis_index("s") * NUM_CORES + lax.axis_index("c")
    row0 = wid * ROWS_PER_WORKER
    pltpu.sync_copy(tok_hbm.at[pl.ds(row0, ROWS_PER_WORKER)], tok_v)
    lane = lax.iota(jnp.int32, LANES)
    for half, (idx_v, val_v) in enumerate(((idx_a, val_a), (idx_b, val_b))):
        for i in range(SCAT_CHUNK // LANES):
            off = half * SCAT_CHUNK + i * LANES
            t = tok_v[pl.ds(off, LANES)]
            r = row0 + off + lane
            tile = (r >> 3) * COL_TILES + (t >> 7)
            idx_v[pl.ds(i * LANES, LANES)] = (
                tile * (SUBLANES * LANES_TC) + ((r & 7) << 7) + (t & 127))
            val_v[pl.ds(i * LANES, LANES)] = jnp.where(
                t == PAD_TOKEN_ID, 0.0, CONFIDENCE_VALUE)
    cp_a = pltpu.async_copy(val_a, out_flat_ref.at[idx_a], sem)
    cp_b = pltpu.async_copy(val_b, out_flat_ref.at[idx_b], sem)
    cp_a.wait()
    cp_b.wait()


_sc_scatter = pl.kernel(
    _sc_scatter_body,
    mesh=plsc.VectorSubcoreMesh(
        core_axis_name="c", subcore_axis_name="s",
        num_cores=NUM_CORES, num_subcores=NUM_SUBCORES),
    scratch_types=[
        pltpu.VMEM((ROWS_PER_WORKER,), jnp.int32),
        pltpu.VMEM((SCAT_CHUNK,), jnp.int32),
        pltpu.VMEM((SCAT_CHUNK,), jnp.int32),
        pltpu.VMEM((SCAT_CHUNK,), jnp.float32),
        pltpu.VMEM((SCAT_CHUNK,), jnp.float32),
        pltpu.SemaphoreType.DMA,
    ],
)


def kernel(trg_token_ids_batch):
    b = trg_token_ids_batch.shape[0]
    tok = trg_token_ids_batch.astype(jnp.int32)
    tok3d = tok.reshape(ROW_TILES, 1, SUBLANES)
    base = pl.pallas_call(
        _base_fill_kernel,
        grid=(ROW_TILES // RT_BLK,),
        in_specs=[pl.BlockSpec((RT_BLK, 1, SUBLANES), lambda i: (i, 0, 0))],
        out_specs=pl.BlockSpec(
            (RT_BLK, COL_TILES, SUBLANES, LANES_TC), lambda i: (i, 0, 0, 0)),
        out_shape=jax.ShapeDtypeStruct(
            (ROW_TILES, COL_TILES, SUBLANES, LANES_TC), jnp.float32),
    )(tok3d)
    out_ref = jax.new_ref(base.reshape(b * TRG_VOCAB_SIZE))
    _sc_scatter(tok[:, 0], out_ref)
    out = jax.freeze(out_ref)
    return (out.reshape(ROW_TILES, COL_TILES, SUBLANES, LANES_TC)
            .transpose(0, 2, 1, 3)
            .reshape(b, TRG_VOCAB_SIZE))

# --- scband reference (transcript-rebuilt; emitter-appended) ---
"""Pipeline reference for scband-label-smoothing-distribution-31920196944116 (READ-ONLY COPY).

The authoritative reference and input builder live on the scoring server;
editing this copy changes nothing except your own understanding.
"""

import jax, jax.numpy as jnp
import numpy as np

SMOOTHING_VALUE = 0.1
CONFIDENCE_VALUE = 1.0 - SMOOTHING_VALUE
PAD_TOKEN_ID = 0
TRG_VOCAB_SIZE = 32000


def setup_inputs(seed: int = 0) -> dict:
    key = jax.random.key(seed)
    trg_token_ids_batch = jax.random.randint(key, (4096, 1), 0, TRG_VOCAB_SIZE, dtype=jnp.int64 if jax.config.jax_enable_x64 else jnp.int32)
    return {"trg_token_ids_batch": trg_token_ids_batch}


def reference(trg_token_ids_batch):
    batch_size = trg_token_ids_batch.shape[0]
    fill_value = SMOOTHING_VALUE / (TRG_VOCAB_SIZE - 2)
    smooth = jnp.full((batch_size, TRG_VOCAB_SIZE), fill_value, dtype=jnp.float32)
    rows = jnp.arange(batch_size)
    cols = trg_token_ids_batch[:, 0]
    # scatter_(1, index, confidence) with index shape [B, 1]
    smooth = smooth.at[rows, cols].set(CONFIDENCE_VALUE)
    # zero out the pad column
    smooth = smooth.at[:, PAD_TOKEN_ID].set(0.0)
    # masked_fill_: rows whose target is the pad token become all zeros (mask [B,1] broadcasts over vocab)
    mask = (trg_token_ids_batch == PAD_TOKEN_ID)
    smooth = jnp.where(mask, 0.0, smooth)
    return smooth.astype(jnp.float32)

if __name__ == "__main__":
    import jax
    _d = setup_inputs()
    print(jax.jit(kernel)(*tuple(_d.values())))

</pallas_src>

<mosaic_0001>
#map = affine_map<(d0, d1) -> (0)>
module attributes {stable_mosaic.version = 14 : i64} {
  func.func @new_body(%arg0: i32, %arg1: i32, %arg2: memref<4096xi32, #tpu.memory_space<hbm>>, %arg3: memref<131072000xf32, #tpu.memory_space<hbm>>, %arg4: memref<131072000xf32, #tpu.memory_space<hbm>>, %arg5: memref<256xi32, #tpu.memory_space<vmem>>, %arg6: memref<128xi32, #tpu.memory_space<vmem>>, %arg7: memref<128xi32, #tpu.memory_space<vmem>>, %arg8: memref<128xf32, #tpu.memory_space<vmem>>, %arg9: memref<128xf32, #tpu.memory_space<vmem>>, %arg10: memref<!tpu.dma_semaphore, #tpu.memory_space<semaphore_mem>>) attributes {dimension_semantics = [#tpu.dimension_semantics<core_parallel>, #tpu.dimension_semantics<subcore_parallel>], iteration_bounds = array<i64: 1, 16>, scalar_prefetch = 0 : i64, scratch_operands = 6 : i64, tpu.core_type = #tpu.core_type<sc_vector_subcore>, window_params = [{transform_indices = #map}, {transform_indices = #map}, {transform_indices = #map}]} {
    %mul3A = arith.constant 1 : i32
    %mul3A_0 = arith.muli %arg1, %mul3A : i32
    %add3A = arith.addi %mul3A_0, %arg0 : i32
    %mul3A_1 = arith.constant 256 : i32
    %mul3A_2 = arith.muli %add3A, %mul3A_1 : i32
    "tpu.region"() ({
      %run_scoped3A = tpu.sem_alloc : memref<!tpu.dma_semaphore, #tpu.memory_space<semaphore_mem>>
      %dma_start3A_752 = tpu.memref_slice %arg2[%mul3A_2] : memref<4096xi32, #tpu.memory_space<hbm>> -> memref<256xi32, #tpu.memory_space<hbm>>
      %dma_start3A_753 = tpu.memref_slice %arg2[%mul3A_2] : memref<4096xi32, #tpu.memory_space<hbm>> -> memref<256xi32, #tpu.memory_space<hbm>>
      tpu.enqueue_dma source(%dma_start3A_753 : memref<256xi32, #tpu.memory_space<hbm>>) target(%arg5 : memref<256xi32, #tpu.memory_space<vmem>>) target_semaphore(%run_scoped3A : memref<!tpu.dma_semaphore, #tpu.memory_space<semaphore_mem>>)
      %dma_wait3A_754 = tpu.memref_slice %arg2[%mul3A_2] : memref<4096xi32, #tpu.memory_space<hbm>> -> memref<256xi32, #tpu.memory_space<hbm>>
      %dma_wait3A_755 = tpu.memref_slice %arg2[%mul3A_2] : memref<4096xi32, #tpu.memory_space<hbm>> -> memref<256xi32, #tpu.memory_space<hbm>>
      tpu.wait_dma2 semaphore(%run_scoped3A : memref<!tpu.dma_semaphore, #tpu.memory_space<semaphore_mem>>) src(%dma_wait3A_755 : memref<256xi32, #tpu.memory_space<hbm>>) dst(%arg5 : memref<256xi32, #tpu.memory_space<vmem>>)
      tpu.yield
    }) : () -> ()
    %iota3A = tpu.iota {dimensions = array<i32: 0>} : vector<16xi32>
    %get3A = arith.constant 0 : index
    %get3A_3 = tpu.vector_load %arg5[%get3A] {strides = array<i32>} : memref<256xi32, #tpu.memory_space<vmem>>, vector<16xi32>,
    %get3A_4 = vector.shape_cast %get3A_3 : vector<16xi32> to vector<16xi32>
    %add3A_5 = arith.constant 0 : i32
    %add3A_6 = arith.addi %mul3A_2, %add3A_5 : i32
    %add3A_7 = vector.broadcast %add3A_6 : i32 to vector<16xi32>
    %add3A_8 = arith.addi %add3A_7, %iota3A : vector<16xi32>
    %shift_right_arithmetic3A = arith.constant 3 : i32
    %shift_right_arithmetic3A_9 = vector.broadcast %shift_right_arithmetic3A : i32 to vector<16xi32>
    %shift_right_arithmetic3A_10 = arith.shrsi %add3A_8, %shift_right_arithmetic3A_9 : vector<16xi32>
    %mul3A_11 = arith.constant 250 : i32
    %mul3A_12 = vector.broadcast %mul3A_11 : i32 to vector<16xi32>
    %mul3A_13 = arith.muli %shift_right_arithmetic3A_10, %mul3A_12 : vector<16xi32>
    %shift_right_arithmetic3A_14 = arith.constant 7 : i32
    %shift_right_arithmetic3A_15 = vector.broadcast %shift_right_arithmetic3A_14 : i32 to vector<16xi32>
    %shift_right_arithmetic3A_16 = arith.shrsi %get3A_4, %shift_right_arithmetic3A_15 : vector<16xi32>
    %add3A_17 = arith.addi %mul3A_13, %shift_right_arithmetic3A_16 : vector<16xi32>
    %mul3A_18 = arith.constant 1024 : i32
    %mul3A_19 = vector.broadcast %mul3A_18 : i32 to vector<16xi32>
    %mul3A_20 = arith.muli %add3A_17, %mul3A_19 : vector<16xi32>
    %and3A = arith.constant 7 : i32
    %and3A_21 = vector.broadcast %and3A : i32 to vector<16xi32>
    %and3A_22 = arith.andi %add3A_8, %and3A_21 : vector<16xi32>
    %shift_left3A = arith.constant 7 : i32
    %shift_left3A_23 = vector.broadcast %shift_left3A : i32 to vector<16xi32>
    %shift_left3A_24 = arith.shli %and3A_22, %shift_left3A_23 : vector<16xi32>
    %add3A_25 = arith.addi %mul3A_20, %shift_left3A_24 : vector<16xi32>
    %and3A_26 = arith.constant 127 : i32
    %and3A_27 = vector.broadcast %and3A_26 : i32 to vector<16xi32>
    %and3A_28 = arith.andi %get3A_4, %and3A_27 : vector<16xi32>
    %add3A_29 = arith.addi %add3A_25, %and3A_28 : vector<16xi32>
    %swap3A = arith.constant 0 : index
    %swap3A_30 = tpu.vector_load %arg6[%swap3A] {strides = array<i32>} : memref<128xi32, #tpu.memory_space<vmem>>, vector<16xi32>,
    %swap3A_31 = vector.shape_cast %swap3A_30 : vector<16xi32> to vector<16xi32>
    %swap3A_32 = vector.shape_cast %add3A_29 : vector<16xi32> to vector<16xi32>
    tpu.vector_store %arg6[%swap3A], %swap3A_32 {strides = array<i32>} : memref<128xi32, #tpu.memory_space<vmem>>, vector<16xi32>,
    %eq3A = arith.constant 0 : i32
    %eq3A_33 = vector.broadcast %eq3A : i32 to vector<16xi32>
    %eq3A_34 = arith.cmpi eq, %get3A_4, %eq3A_33 : vector<16xi32>
    %jit3A = arith.constant 0.000000e+00 : f32
    %jit3A_35 = arith.constant 0.899999976 : f32
    %broadcast_in_dim3A = vector.broadcast %jit3A : f32 to vector<16xf32>
    %broadcast_in_dim3A_36 = vector.broadcast %jit3A_35 : f32 to vector<16xf32>
    %select_n3A = arith.select %eq3A_34, %broadcast_in_dim3A, %broadcast_in_dim3A_36 : vector<16xi1>, vector<16xf32>
    %swap3A_37 = arith.constant 0 : index
    %swap3A_38 = tpu.vector_load %arg8[%swap3A_37] {strides = array<i32>} : memref<128xf32, #tpu.memory_space<vmem>>, vector<16xf32>,
    %swap3A_39 = vector.shape_cast %swap3A_38 : vector<16xf32> to vector<16xf32>
    %swap3A_40 = vector.shape_cast %select_n3A : vector<16xf32> to vector<16xf32>
    tpu.vector_store %arg8[%swap3A_37], %swap3A_40 {strides = array<i32>} : memref<128xf32, #tpu.memory_space<vmem>>, vector<16xf32>,
    %get3A_41 = arith.constant 16 : index
    %get3A_42 = tpu.vector_load %arg5[%get3A_41] {strides = array<i32>} : memref<256xi32, #tpu.memory_space<vmem>>, vector<16xi32>,
    %get3A_43 = vector.shape_cast %get3A_42 : vector<16xi32> to vector<16xi32>
    %add3A_44 = arith.constant 16 : i32
    %add3A_45 = arith.addi %mul3A_2, %add3A_44 : i32
    %add3A_46 = vector.broadcast %add3A_45 : i32 to vector<16xi32>
    %add3A_47 = arith.addi %add3A_46, %iota3A : vector<16xi32>
    %shift_right_arithmetic3A_48 = arith.constant 3 : i32
    %shift_right_arithmetic3A_49 = vector.broadcast %shift_right_arithmetic3A_48 : i32 to vector<16xi32>
    %shift_right_arithmetic3A_50 = arith.shrsi %add3A_47, %shift_right_arithmetic3A_49 : vector<16xi32>
    %mul3A_51 = arith.constant 250 : i32
    %mul3A_52 = vector.broadcast %mul3A_51 : i32 to vector<16xi32>
    %mul3A_53 = arith.muli %shift_right_arithmetic3A_50, %mul3A_52 : vector<16xi32>
    %shift_right_arithmetic3A_54 = arith.constant 7 : i32
    %shift_right_arithmetic3A_55 = vector.broadcast %shift_right_arithmetic3A_54 : i32 to vector<16xi32>
    %shift_right_arithmetic3A_56 = arith.shrsi %get3A_43, %shift_right_arithmetic3A_55 : vector<16xi32>
    %add3A_57 = arith.addi %mul3A_53, %shift_right_arithmetic3A_56 : vector<16xi32>
    %mul3A_58 = arith.constant 1024 : i32
    %mul3A_59 = vector.broadcast %mul3A_58 : i32 to vector<16xi32>
    %mul3A_60 = arith.muli %add3A_57, %mul3A_59 : vector<16xi32>
    %and3A_61 = arith.constant 7 : i32
    %and3A_62 = vector.broadcast %and3A_61 : i32 to vector<16xi32>
    %and3A_63 = arith.andi %add3A_47, %and3A_62 : vector<16xi32>
    %shift_left3A_64 = arith.constant 7 : i32
    %shift_left3A_65 = vector.broadcast %shift_left3A_64 : i32 to vector<16xi32>
    %shift_left3A_66 = arith.shli %and3A_63, %shift_left3A_65 : vector<16xi32>
    %add3A_67 = arith.addi %mul3A_60, %shift_left3A_66 : vector<16xi32>
    %and3A_68 = arith.constant 127 : i32
    %and3A_69 = vector.broadcast %and3A_68 : i32 to vector<16xi32>
    %and3A_70 = arith.andi %get3A_43, %and3A_69 : vector<16xi32>
    %add3A_71 = arith.addi %add3A_67, %and3A_70 : vector<16xi32>
    %swap3A_72 = arith.constant 16 : index
    %swap3A_73 = tpu.vector_load %arg6[%swap3A_72] {strides = array<i32>} : memref<128xi32, #tpu.memory_space<vmem>>, vector<16xi32>,
    %swap3A_74 = vector.shape_cast %swap3A_73 : vector<16xi32> to vector<16xi32>
    %swap3A_75 = vector.shape_cast %add3A_71 : vector<16xi32> to vector<16xi32>
    tpu.vector_store %arg6[%swap3A_72], %swap3A_75 {strides = array<i32>} : memref<128xi32, #tpu.memory_space<vmem>>, vector<16xi32>,
    %eq3A_76 = arith.constant 0 : i32
    %eq3A_77 = vector.broadcast %eq3A_76 : i32 to vector<16xi32>
    %eq3A_78 = arith.cmpi eq, %get3A_43, %eq3A_77 : vector<16xi32>
    %jit3A_79 = arith.constant 0.000000e+00 : f32
    %jit3A_80 = arith.constant 0.899999976 : f32
    %broadcast_in_dim3A_81 = vector.broadcast %jit3A_79 : f32 to vector<16xf32>
    %broadcast_in_dim3A_82 = vector.broadcast %jit3A_80 : f32 to vector<16xf32>
    %select_n3A_83 = arith.select %eq3A_78, %broadcast_in_dim3A_81, %broadcast_in_dim3A_82 : vector<16xi1>, vector<16xf32>
    %swap3A_84 = arith.constant 16 : index
    %swap3A_85 = tpu.vector_load %arg8[%swap3A_84] {strides = array<i32>} : memref<128xf32, #tpu.memory_space<vmem>>, vector<16xf32>,
    %swap3A_86 = vector.shape_cast %swap3A_85 : vector<16xf32> to vector<16xf32>
    %swap3A_87 = vector.shape_cast %select_n3A_83 : vector<16xf32> to vector<16xf32>
    tpu.vector_store %arg8[%swap3A_84], %swap3A_87 {strides = array<i32>} : memref<128xf32, #tpu.memory_space<vmem>>, vector<16xf32>,
    %get3A_88 = arith.constant 32 : index
    %get3A_89 = tpu.vector_load %arg5[%get3A_88] {strides = array<i32>} : memref<256xi32, #tpu.memory_space<vmem>>, vector<16xi32>,
    %get3A_90 = vector.shape_cast %get3A_89 : vector<16xi32> to vector<16xi32>
    %add3A_91 = arith.constant 32 : i32
    %add3A_92 = arith.addi %mul3A_2, %add3A_91 : i32
    %add3A_93 = vector.broadcast %add3A_92 : i32 to vector<16xi32>
    %add3A_94 = arith.addi %add3A_93, %iota3A : vector<16xi32>
    %shift_right_arithmetic3A_95 = arith.constant 3 : i32
    %shift_right_arithmetic3A_96 = vector.broadcast %shift_right_arithmetic3A_95 : i32 to vector<16xi32>
    %shift_right_arithmetic3A_97 = arith.shrsi %add3A_94, %shift_right_arithmetic3A_96 : vector<16xi32>
    %mul3A_98 = arith.constant 250 : i32
    %mul3A_99 = vector.broadcast %mul3A_98 : i32 to vector<16xi32>
    %mul3A_100 = arith.muli %shift_right_arithmetic3A_97, %mul3A_99 : vector<16xi32>
    %shift_right_arithmetic3A_101 = arith.constant 7 : i32
    %shift_right_arithmetic3A_102 = vector.broadcast %shift_right_arithmetic3A_101 : i32 to vector<16xi32>
    %shift_right_arithmetic3A_103 = arith.shrsi %get3A_90, %shift_right_arithmetic3A_102 : vector<16xi32>
    %add3A_104 = arith.addi %mul3A_100, %shift_right_arithmetic3A_103 : vector<16xi32>
    %mul3A_105 = arith.constant 1024 : i32
    %mul3A_106 = vector.broadcast %mul3A_105 : i32 to vector<16xi32>
    %mul3A_107 = arith.muli %add3A_104, %mul3A_106 : vector<16xi32>
    %and3A_108 = arith.constant 7 : i32
    %and3A_109 = vector.broadcast %and3A_108 : i32 to vector<16xi32>
    %and3A_110 = arith.andi %add3A_94, %and3A_109 : vector<16xi32>
    %shift_left3A_111 = arith.constant 7 : i32
    %shift_left3A_112 = vector.broadcast %shift_left3A_111 : i32 to vector<16xi32>
    %shift_left3A_113 = arith.shli %and3A_110, %shift_left3A_112 : vector<16xi32>
    %add3A_114 = arith.addi %mul3A_107, %shift_left3A_113 : vector<16xi32>
    %and3A_115 = arith.constant 127 : i32
    %and3A_116 = vector.broadcast %and3A_115 : i32 to vector<16xi32>
    %and3A_117 = arith.andi %get3A_90, %and3A_116 : vector<16xi32>
    %add3A_118 = arith.addi %add3A_114, %and3A_117 : vector<16xi32>
    %swap3A_119 = arith.constant 32 : index
    %swap3A_120 = tpu.vector_load %arg6[%swap3A_119] {strides = array<i32>} : memref<128xi32, #tpu.memory_space<vmem>>, vector<16xi32>,
    %swap3A_121 = vector.shape_cast %swap3A_120 : vector<16xi32> to vector<16xi32>
    %swap3A_122 = vector.shape_cast %add3A_118 : vector<16xi32> to vector<16xi32>
    tpu.vector_store %arg6[%swap3A_119], %swap3A_122 {strides = array<i32>} : memref<128xi32, #tpu.memory_space<vmem>>, vector<16xi32>,
    %eq3A_123 = arith.constant 0 : i32
    %eq3A_124 = vector.broadcast %eq3A_123 : i32 to vector<16xi32>
    %eq3A_125 = arith.cmpi eq, %get3A_90, %eq3A_124 : vector<16xi32>
    %jit3A_126 = arith.constant 0.000000e+00 : f32
    %jit3A_127 = arith.constant 0.899999976 : f32
    %broadcast_in_dim3A_128 = vector.broadcast %jit3A_126 : f32 to vector<16xf32>
    %broadcast_in_dim3A_129 = vector.broadcast %jit3A_127 : f32 to vector<16xf32>
    %select_n3A_130 = arith.select %eq3A_125, %broadcast_in_dim3A_128, %broadcast_in_dim3A_129 : vector<16xi1>, vector<16xf32>
    %swap3A_131 = arith.constant 32 : index
    %swap3A_132 = tpu.vector_load %arg8[%swap3A_131] {strides = array<i32>} : memref<128xf32, #tpu.memory_space<vmem>>, vector<16xf32>,
    %swap3A_133 = vector.shape_cast %swap3A_132 : vector<16xf32> to vector<16xf32>
    %swap3A_134 = vector.shape_cast %select_n3A_130 : vector<16xf32> to vector<16xf32>
    tpu.vector_store %arg8[%swap3A_131], %swap3A_134 {strides = array<i32>} : memref<128xf32, #tpu.memory_space<vmem>>, vector<16xf32>,
    %get3A_135 = arith.constant 48 : index
    %get3A_136 = tpu.vector_load %arg5[%get3A_135] {strides = array<i32>} : memref<256xi32, #tpu.memory_space<vmem>>, vector<16xi32>,
    %get3A_137 = vector.shape_cast %get3A_136 : vector<16xi32> to vector<16xi32>
    %add3A_138 = arith.constant 48 : i32
    %add3A_139 = arith.addi %mul3A_2, %add3A_138 : i32
    %add3A_140 = vector.broadcast %add3A_139 : i32 to vector<16xi32>
    %add3A_141 = arith.addi %add3A_140, %iota3A : vector<16xi32>
    %shift_right_arithmetic3A_142 = arith.constant 3 : i32
    %shift_right_arithmetic3A_143 = vector.broadcast %shift_right_arithmetic3A_142 : i32 to vector<16xi32>
    %shift_right_arithmetic3A_144 = arith.shrsi %add3A_141, %shift_right_arithmetic3A_143 : vector<16xi32>
    %mul3A_145 = arith.constant 250 : i32
    %mul3A_146 = vector.broadcast %mul3A_145 : i32 to vector<16xi32>
    %mul3A_147 = arith.muli %shift_right_arithmetic3A_144, %mul3A_146 : vector<16xi32>
    %shift_right_arithmetic3A_148 = arith.constant 7 : i32
    %shift_right_arithmetic3A_149 = vector.broadcast %shift_right_arithmetic3A_148 : i32 to vector<16xi32>
    %shift_right_arithmetic3A_150 = arith.shrsi %get3A_137, %shift_right_arithmetic3A_149 : vector<16xi32>
    %add3A_151 = arith.addi %mul3A_147, %shift_right_arithmetic3A_150 : vector<16xi32>
    %mul3A_152 = arith.constant 1024 : i32
    %mul3A_153 = vector.broadcast %mul3A_152 : i32 to vector<16xi32>
    %mul3A_154 = arith.muli %add3A_151, %mul3A_153 : vector<16xi32>
    %and3A_155 = arith.constant 7 : i32
    %and3A_156 = vector.broadcast %and3A_155 : i32 to vector<16xi32>
    %and3A_157 = arith.andi %add3A_141, %and3A_156 : vector<16xi32>
    %shift_left3A_158 = arith.constant 7 : i32
    %shift_left3A_159 = vector.broadcast %shift_left3A_158 : i32 to vector<16xi32>
    %shift_left3A_160 = arith.shli %and3A_157, %shift_left3A_159 : vector<16xi32>
    %add3A_161 = arith.addi %mul3A_154, %shift_left3A_160 : vector<16xi32>
    %and3A_162 = arith.constant 127 : i32
    %and3A_163 = vector.broadcast %and3A_162 : i32 to vector<16xi32>
    %and3A_164 = arith.andi %get3A_137, %and3A_163 : vector<16xi32>
    %add3A_165 = arith.addi %add3A_161, %and3A_164 : vector<16xi32>
    %swap3A_166 = arith.constant 48 : index
    %swap3A_167 = tpu.vector_load %arg6[%swap3A_166] {strides = array<i32>} : memref<128xi32, #tpu.memory_space<vmem>>, vector<16xi32>,
    %swap3A_168 = vector.shape_cast %swap3A_167 : vector<16xi32> to vector<16xi32>
    %swap3A_169 = vector.shape_cast %add3A_165 : vector<16xi32> to vector<16xi32>
    tpu.vector_store %arg6[%swap3A_166], %swap3A_169 {strides = array<i32>} : memref<128xi32, #tpu.memory_space<vmem>>, vector<16xi32>,
    %eq3A_170 = arith.constant 0 : i32
    %eq3A_171 = vector.broadcast %eq3A_170 : i32 to vector<16xi32>
    %eq3A_172 = arith.cmpi eq, %get3A_137, %eq3A_171 : vector<16xi32>
    %jit3A_173 = arith.constant 0.000000e+00 : f32
    %jit3A_174 = arith.constant 0.899999976 : f32
    %broadcast_in_dim3A_175 = vector.broadcast %jit3A_173 : f32 to vector<16xf32>
    %broadcast_in_dim3A_176 = vector.broadcast %jit3A_174 : f32 to vector<16xf32>
    %select_n3A_177 = arith.select %eq3A_172, %broadcast_in_dim3A_175, %broadcast_in_dim3A_176 : vector<16xi1>, vector<16xf32>
    %swap3A_178 = arith.constant 48 : index
    %swap3A_179 = tpu.vector_load %arg8[%swap3A_178] {strides = array<i32>} : memref<128xf32, #tpu.memory_space<vmem>>, vector<16xf32>,
    %swap3A_180 = vector.shape_cast %swap3A_179 : vector<16xf32> to vector<16xf32>
    %swap3A_181 = vector.shape_cast %select_n3A_177 : vector<16xf32> to vector<16xf32>
    tpu.vector_store %arg8[%swap3A_178], %swap3A_181 {strides = array<i32>} : memref<128xf32, #tpu.memory_space<vmem>>, vector<16xf32>,
    %get3A_182 = arith.constant 64 : index
    %get3A_183 = tpu.vector_load %arg5[%get3A_182] {strides = array<i32>} : memref<256xi32, #tpu.memory_space<vmem>>, vector<16xi32>,
    %get3A_184 = vector.shape_cast %get3A_183 : vector<16xi32> to vector<16xi32>
    %add3A_185 = arith.constant 64 : i32
    %add3A_186 = arith.addi %mul3A_2, %add3A_185 : i32
    %add3A_187 = vector.broadcast %add3A_186 : i32 to vector<16xi32>
    %add3A_188 = arith.addi %add3A_187, %iota3A : vector<16xi32>
    %shift_right_arithmetic3A_189 = arith.constant 3 : i32
    %shift_right_arithmetic3A_190 = vector.broadcast %shift_right_arithmetic3A_189 : i32 to vector<16xi32>
    %shift_right_arithmetic3A_191 = arith.shrsi %add3A_188, %shift_right_arithmetic3A_190 : vector<16xi32>
    %mul3A_192 = arith.constant 250 : i32
    %mul3A_193 = vector.broadcast %mul3A_192 : i32 to vector<16xi32>
    %mul3A_194 = arith.muli %shift_right_arithmetic3A_191, %mul3A_193 : vector<16xi32>
    %shift_right_arithmetic3A_195 = arith.constant 7 : i32
    %shift_right_arithmetic3A_196 = vector.broadcast %shift_right_arithmetic3A_195 : i32 to vector<16xi32>
    %shift_right_arithmetic3A_197 = arith.shrsi %get3A_184, %shift_right_arithmetic3A_196 : vector<16xi32>
    %add3A_198 = arith.addi %mul3A_194, %shift_right_arithmetic3A_197 : vector<16xi32>
    %mul3A_199 = arith.constant 1024 : i32
    %mul3A_200 = vector.broadcast %mul3A_199 : i32 to vector<16xi32>
    %mul3A_201 = arith.muli %add3A_198, %mul3A_200 : vector<16xi32>
    %and3A_202 = arith.constant 7 : i32
    %and3A_203 = vector.broadcast %and3A_202 : i32 to vector<16xi32>
    %and3A_204 = arith.andi %add3A_188, %and3A_203 : vector<16xi32>
    %shift_left3A_205 = arith.constant 7 : i32
    %shift_left3A_206 = vector.broadcast %shift_left3A_205 : i32 to vector<16xi32>
    %shift_left3A_207 = arith.shli %and3A_204, %shift_left3A_206 : vector<16xi32>
    %add3A_208 = arith.addi %mul3A_201, %shift_left3A_207 : vector<16xi32>
    %and3A_209 = arith.constant 127 : i32
    %and3A_210 = vector.broadcast %and3A_209 : i32 to vector<16xi32>
    %and3A_211 = arith.andi %get3A_184, %and3A_210 : vector<16xi32>
    %add3A_212 = arith.addi %add3A_208, %and3A_211 : vector<16xi32>
    %swap3A_213 = arith.constant 64 : index
    %swap3A_214 = tpu.vector_load %arg6[%swap3A_213] {strides = array<i32>} : memref<128xi32, #tpu.memory_space<vmem>>, vector<16xi32>,
    %swap3A_215 = vector.shape_cast %swap3A_214 : vector<16xi32> to vector<16xi32>
    %swap3A_216 = vector.shape_cast %add3A_212 : vector<16xi32> to vector<16xi32>
    tpu.vector_store %arg6[%swap3A_213], %swap3A_216 {strides = array<i32>} : memref<128xi32, #tpu.memory_space<vmem>>, vector<16xi32>,
    %eq3A_217 = arith.constant 0 : i32
    %eq3A_218 = vector.broadcast %eq3A_217 : i32 to vector<16xi32>
    %eq3A_219 = arith.cmpi eq, %get3A_184, %eq3A_218 : vector<16xi32>
    %jit3A_220 = arith.constant 0.000000e+00 : f32
    %jit3A_221 = arith.constant 0.899999976 : f32
    %broadcast_in_dim3A_222 = vector.broadcast %jit3A_220 : f32 to vector<16xf32>
    %broadcast_in_dim3A_223 = vector.broadcast %jit3A_221 : f32 to vector<16xf32>
    %select_n3A_224 = arith.select %eq3A_219, %broadcast_in_dim3A_222, %broadcast_in_dim3A_223 : vector<16xi1>, vector<16xf32>
    %swap3A_225 = arith.constant 64 : index
    %swap3A_226 = tpu.vector_load %arg8[%swap3A_225] {strides = array<i32>} : memref<128xf32, #tpu.memory_space<vmem>>, vector<16xf32>,
    %swap3A_227 = vector.shape_cast %swap3A_226 : vector<16xf32> to vector<16xf32>
    %swap3A_228 = vector.shape_cast %select_n3A_224 : vector<16xf32> to vector<16xf32>
    tpu.vector_store %arg8[%swap3A_225], %swap3A_228 {strides = array<i32>} : memref<128xf32, #tpu.memory_space<vmem>>, vector<16xf32>,
    %get3A_229 = arith.constant 80 : index
    %get3A_230 = tpu.vector_load %arg5[%get3A_229] {strides = array<i32>} : memref<256xi32, #tpu.memory_space<vmem>>, vector<16xi32>,
    %get3A_231 = vector.shape_cast %get3A_230 : vector<16xi32> to vector<16xi32>
    %add3A_232 = arith.constant 80 : i32
    %add3A_233 = arith.addi %mul3A_2, %add3A_232 : i32
    %add3A_234 = vector.broadcast %add3A_233 : i32 to vector<16xi32>
    %add3A_235 = arith.addi %add3A_234, %iota3A : vector<16xi32>
    %shift_right_arithmetic3A_236 = arith.constant 3 : i32
    %shift_right_arithmetic3A_237 = vector.broadcast %shift_right_arithmetic3A_236 : i32 to vector<16xi32>
    %shift_right_arithmetic3A_238 = arith.shrsi %add3A_235, %shift_right_arithmetic3A_237 : vector<16xi32>
    %mul3A_239 = arith.constant 250 : i32
    %mul3A_240 = vector.broadcast %mul3A_239 : i32 to vector<16xi32>
    %mul3A_241 = arith.muli %shift_right_arithmetic3A_238, %mul3A_240 : vector<16xi32>
    %shift_right_arithmetic3A_242 = arith.constant 7 : i32
    %shift_right_arithmetic3A_243 = vector.broadcast %shift_right_arithmetic3A_242 : i32 to vector<16xi32>
    %shift_right_arithmetic3A_244 = arith.shrsi %get3A_231, %shift_right_arithmetic3A_243 : vector<16xi32>
    %add3A_245 = arith.addi %mul3A_241, %shift_right_arithmetic3A_244 : vector<16xi32>
    %mul3A_246 = arith.constant 1024 : i32
    %mul3A_247 = vector.broadcast %mul3A_246 : i32 to vector<16xi32>
    %mul3A_248 = arith.muli %add3A_245, %mul3A_247 : vector<16xi32>
    %and3A_249 = arith.constant 7 : i32
    %and3A_250 = vector.broadcast %and3A_249 : i32 to vector<16xi32>
    %and3A_251 = arith.andi %add3A_235, %and3A_250 : vector<16xi32>
    %shift_left3A_252 = arith.constant 7 : i32
    %shift_left3A_253 = vector.broadcast %shift_left3A_252 : i32 to vector<16xi32>
    %shift_left3A_254 = arith.shli %and3A_251, %shift_left3A_253 : vector<16xi32>
    %add3A_255 = arith.addi %mul3A_248, %shift_left3A_254 : vector<16xi32>
    %and3A_256 = arith.constant 127 : i32
    %and3A_257 = vector.broadcast %and3A_256 : i32 to vector<16xi32>
    %and3A_258 = arith.andi %get3A_231, %and3A_257 : vector<16xi32>
    %add3A_259 = arith.addi %add3A_255, %and3A_258 : vector<16xi32>
    %swap3A_260 = arith.constant 80 : index
    %swap3A_261 = tpu.vector_load %arg6[%swap3A_260] {strides = array<i32>} : memref<128xi32, #tpu.memory_space<vmem>>, vector<16xi32>,
    %swap3A_262 = vector.shape_cast %swap3A_261 : vector<16xi32> to vector<16xi32>
    %swap3A_263 = vector.shape_cast %add3A_259 : vector<16xi32> to vector<16xi32>
    tpu.vector_store %arg6[%swap3A_260], %swap3A_263 {strides = array<i32>} : memref<128xi32, #tpu.memory_space<vmem>>, vector<16xi32>,
    %eq3A_264 = arith.constant 0 : i32
    %eq3A_265 = vector.broadcast %eq3A_264 : i32 to vector<16xi32>
    %eq3A_266 = arith.cmpi eq, %get3A_231, %eq3A_265 : vector<16xi32>
    %jit3A_267 = arith.constant 0.000000e+00 : f32
    %jit3A_268 = arith.constant 0.899999976 : f32
    %broadcast_in_dim3A_269 = vector.broadcast %jit3A_267 : f32 to vector<16xf32>
    %broadcast_in_dim3A_270 = vector.broadcast %jit3A_268 : f32 to vector<16xf32>
    %select_n3A_271 = arith.select %eq3A_266, %broadcast_in_dim3A_269, %broadcast_in_dim3A_270 : vector<16xi1>, vector<16xf32>
    %swap3A_272 = arith.constant 80 : index
    %swap3A_273 = tpu.vector_load %arg8[%swap3A_272] {strides = array<i32>} : memref<128xf32, #tpu.memory_space<vmem>>, vector<16xf32>,
    %swap3A_274 = vector.shape_cast %swap3A_273 : vector<16xf32> to vector<16xf32>
    %swap3A_275 = vector.shape_cast %select_n3A_271 : vector<16xf32> to vector<16xf32>
    tpu.vector_store %arg8[%swap3A_272], %swap3A_275 {strides = array<i32>} : memref<128xf32, #tpu.memory_space<vmem>>, vector<16xf32>,
    %get3A_276 = arith.constant 96 : index
    %get3A_277 = tpu.vector_load %arg5[%get3A_276] {strides = array<i32>} : memref<256xi32, #tpu.memory_space<vmem>>, vector<16xi32>,
    %get3A_278 = vector.shape_cast %get3A_277 : vector<16xi32> to vector<16xi32>
    %add3A_279 = arith.constant 96 : i32
    %add3A_280 = arith.addi %mul3A_2, %add3A_279 : i32
    %add3A_281 = vector.broadcast %add3A_280 : i32 to vector<16xi32>
    %add3A_282 = arith.addi %add3A_281, %iota3A : vector<16xi32>
    %shift_right_arithmetic3A_283 = arith.constant 3 : i32
    %shift_right_arithmetic3A_284 = vector.broadcast %shift_right_arithmetic3A_283 : i32 to vector<16xi32>
    %shift_right_arithmetic3A_285 = arith.shrsi %add3A_282, %shift_right_arithmetic3A_284 : vector<16xi32>
    %mul3A_286 = arith.constant 250 : i32
    %mul3A_287 = vector.broadcast %mul3A_286 : i32 to vector<16xi32>
    %mul3A_288 = arith.muli %shift_right_arithmetic3A_285, %mul3A_287 : vector<16xi32>
    %shift_right_arithmetic3A_289 = arith.constant 7 : i32
    %shift_right_arithmetic3A_290 = vector.broadcast %shift_right_arithmetic3A_289 : i32 to vector<16xi32>
    %shift_right_arithmetic3A_291 = arith.shrsi %get3A_278, %shift_right_arithmetic3A_290 : vector<16xi32>
    %add3A_292 = arith.addi %mul3A_288, %shift_right_arithmetic3A_291 : vector<16xi32>
    %mul3A_293 = arith.constant 1024 : i32
    %mul3A_294 = vector.broadcast %mul3A_293 : i32 to vector<16xi32>
    %mul3A_295 = arith.muli %add3A_292, %mul3A_294 : vector<16xi32>
    %and3A_296 = arith.constant 7 : i32
    %and3A_297 = vector.broadcast %and3A_296 : i32 to vector<16xi32>
    %and3A_298 = arith.andi %add3A_282, %and3A_297 : vector<16xi32>
    %shift_left3A_299 = arith.constant 7 : i32
    %shift_left3A_300 = vector.broadcast %shift_left3A_299 : i32 to vector<16xi32>
    %shift_left3A_301 = arith.shli %and3A_298, %shift_left3A_300 : vector<16xi32>
    %add3A_302 = arith.addi %mul3A_295, %shift_left3A_301 : vector<16xi32>
    %and3A_303 = arith.constant 127 : i32
    %and3A_304 = vector.broadcast %and3A_303 : i32 to vector<16xi32>
    %and3A_305 = arith.andi %get3A_278, %and3A_304 : vector<16xi32>
    %add3A_306 = arith.addi %add3A_302, %and3A_305 : vector<16xi32>
    %swap3A_307 = arith.constant 96 : index
    %swap3A_308 = tpu.vector_load %arg6[%swap3A_307] {strides = array<i32>} : memref<128xi32, #tpu.memory_space<vmem>>, vector<16xi32>,
    %swap3A_309 = vector.shape_cast %swap3A_308 : vector<16xi32> to vector<16xi32>
    %swap3A_310 = vector.shape_cast %add3A_306 : vector<16xi32> to vector<16xi32>
    tpu.vector_store %arg6[%swap3A_307], %swap3A_310 {strides = array<i32>} : memref<128xi32, #tpu.memory_space<vmem>>, vector<16xi32>,
    %eq3A_311 = arith.constant 0 : i32
    %eq3A_312 = vector.broadcast %eq3A_311 : i32 to vector<16xi32>
    %eq3A_313 = arith.cmpi eq, %get3A_278, %eq3A_312 : vector<16xi32>
    %jit3A_314 = arith.constant 0.000000e+00 : f32
    %jit3A_315 = arith.constant 0.899999976 : f32
    %broadcast_in_dim3A_316 = vector.broadcast %jit3A_314 : f32 to vector<16xf32>
    %broadcast_in_dim3A_317 = vector.broadcast %jit3A_315 : f32 to vector<16xf32>
    %select_n3A_318 = arith.select %eq3A_313, %broadcast_in_dim3A_316, %broadcast_in_dim3A_317 : vector<16xi1>, vector<16xf32>
    %swap3A_319 = arith.constant 96 : index
    %swap3A_320 = tpu.vector_load %arg8[%swap3A_319] {strides = array<i32>} : memref<128xf32, #tpu.memory_space<vmem>>, vector<16xf32>,
    %swap3A_321 = vector.shape_cast %swap3A_320 : vector<16xf32> to vector<16xf32>
    %swap3A_322 = vector.shape_cast %select_n3A_318 : vector<16xf32> to vector<16xf32>
    tpu.vector_store %arg8[%swap3A_319], %swap3A_322 {strides = array<i32>} : memref<128xf32, #tpu.memory_space<vmem>>, vector<16xf32>,
    %get3A_323 = arith.constant 112 : index
    %get3A_324 = tpu.vector_load %arg5[%get3A_323] {strides = array<i32>} : memref<256xi32, #tpu.memory_space<vmem>>, vector<16xi32>,
    %get3A_325 = vector.shape_cast %get3A_324 : vector<16xi32> to vector<16xi32>
    %add3A_326 = arith.constant 112 : i32
    %add3A_327 = arith.addi %mul3A_2, %add3A_326 : i32
    %add3A_328 = vector.broadcast %add3A_327 : i32 to vector<16xi32>
    %add3A_329 = arith.addi %add3A_328, %iota3A : vector<16xi32>
    %shift_right_arithmetic3A_330 = arith.constant 3 : i32
    %shift_right_arithmetic3A_331 = vector.broadcast %shift_right_arithmetic3A_330 : i32 to vector<16xi32>
    %shift_right_arithmetic3A_332 = arith.shrsi %add3A_329, %shift_right_arithmetic3A_331 : vector<16xi32>
    %mul3A_333 = arith.constant 250 : i32
    %mul3A_334 = vector.broadcast %mul3A_333 : i32 to vector<16xi32>
    %mul3A_335 = arith.muli %shift_right_arithmetic3A_332, %mul3A_334 : vector<16xi32>
    %shift_right_arithmetic3A_336 = arith.constant 7 : i32
    %shift_right_arithmetic3A_337 = vector.broadcast %shift_right_arithmetic3A_336 : i32 to vector<16xi32>
    %shift_right_arithmetic3A_338 = arith.shrsi %get3A_325, %shift_right_arithmetic3A_337 : vector<16xi32>
    %add3A_339 = arith.addi %mul3A_335, %shift_right_arithmetic3A_338 : vector<16xi32>
    %mul3A_340 = arith.constant 1024 : i32
    %mul3A_341 = vector.broadcast %mul3A_340 : i32 to vector<16xi32>
    %mul3A_342 = arith.muli %add3A_339, %mul3A_341 : vector<16xi32>
    %and3A_343 = arith.constant 7 : i32
    %and3A_344 = vector.broadcast %and3A_343 : i32 to vector<16xi32>
    %and3A_345 = arith.andi %add3A_329, %and3A_344 : vector<16xi32>
    %shift_left3A_346 = arith.constant 7 : i32
    %shift_left3A_347 = vector.broadcast %shift_left3A_346 : i32 to vector<16xi32>
    %shift_left3A_348 = arith.shli %and3A_345, %shift_left3A_347 : vector<16xi32>
    %add3A_349 = arith.addi %mul3A_342, %shift_left3A_348 : vector<16xi32>
    %and3A_350 = arith.constant 127 : i32
    %and3A_351 = vector.broadcast %and3A_350 : i32 to vector<16xi32>
    %and3A_352 = arith.andi %get3A_325, %and3A_351 : vector<16xi32>
    %add3A_353 = arith.addi %add3A_349, %and3A_352 : vector<16xi32>
    %swap3A_354 = arith.constant 112 : index
    %swap3A_355 = tpu.vector_load %arg6[%swap3A_354] {strides = array<i32>} : memref<128xi32, #tpu.memory_space<vmem>>, vector<16xi32>,
    %swap3A_356 = vector.shape_cast %swap3A_355 : vector<16xi32> to vector<16xi32>
    %swap3A_357 = vector.shape_cast %add3A_353 : vector<16xi32> to vector<16xi32>
    tpu.vector_store %arg6[%swap3A_354], %swap3A_357 {strides = array<i32>} : memref<128xi32, #tpu.memory_space<vmem>>, vector<16xi32>,
    %eq3A_358 = arith.constant 0 : i32
    %eq3A_359 = vector.broadcast %eq3A_358 : i32 to vector<16xi32>
    %eq3A_360 = arith.cmpi eq, %get3A_325, %eq3A_359 : vector<16xi32>
    %jit3A_361 = arith.constant 0.000000e+00 : f32
    %jit3A_362 = arith.constant 0.899999976 : f32
    %broadcast_in_dim3A_363 = vector.broadcast %jit3A_361 : f32 to vector<16xf32>
    %broadcast_in_dim3A_364 = vector.broadcast %jit3A_362 : f32 to vector<16xf32>
    %select_n3A_365 = arith.select %eq3A_360, %broadcast_in_dim3A_363, %broadcast_in_dim3A_364 : vector<16xi1>, vector<16xf32>
    %swap3A_366 = arith.constant 112 : index
    %swap3A_367 = tpu.vector_load %arg8[%swap3A_366] {strides = array<i32>} : memref<128xf32, #tpu.memory_space<vmem>>, vector<16xf32>,
    %swap3A_368 = vector.shape_cast %swap3A_367 : vector<16xf32> to vector<16xf32>
    %swap3A_369 = vector.shape_cast %select_n3A_365 : vector<16xf32> to vector<16xf32>
    tpu.vector_store %arg8[%swap3A_366], %swap3A_369 {strides = array<i32>} : memref<128xf32, #tpu.memory_space<vmem>>, vector<16xf32>,
    %get3A_370 = arith.constant 128 : index
    %get3A_371 = tpu.vector_load %arg5[%get3A_370] {strides = array<i32>} : memref<256xi32, #tpu.memory_space<vmem>>, vector<16xi32>,
    %get3A_372 = vector.shape_cast %get3A_371 : vector<16xi32> to vector<16xi32>
    %add3A_373 = arith.constant 128 : i32
    %add3A_374 = arith.addi %mul3A_2, %add3A_373 : i32
    %add3A_375 = vector.broadcast %add3A_374 : i32 to vector<16xi32>
    %add3A_376 = arith.addi %add3A_375, %iota3A : vector<16xi32>
    %shift_right_arithmetic3A_377 = arith.constant 3 : i32
    %shift_right_arithmetic3A_378 = vector.broadcast %shift_right_arithmetic3A_377 : i32 to vector<16xi32>
    %shift_right_arithmetic3A_379 = arith.shrsi %add3A_376, %shift_right_arithmetic3A_378 : vector<16xi32>
    %mul3A_380 = arith.constant 250 : i32
    %mul3A_381 = vector.broadcast %mul3A_380 : i32 to vector<16xi32>
    %mul3A_382 = arith.muli %shift_right_arithmetic3A_379, %mul3A_381 : vector<16xi32>
    %shift_right_arithmetic3A_383 = arith.constant 7 : i32
    %shift_right_arithmetic3A_384 = vector.broadcast %shift_right_arithmetic3A_383 : i32 to vector<16xi32>
    %shift_right_arithmetic3A_385 = arith.shrsi %get3A_372, %shift_right_arithmetic3A_384 : vector<16xi32>
    %add3A_386 = arith.addi %mul3A_382, %shift_right_arithmetic3A_385 : vector<16xi32>
    %mul3A_387 = arith.constant 1024 : i32
    %mul3A_388 = vector.broadcast %mul3A_387 : i32 to vector<16xi32>
    %mul3A_389 = arith.muli %add3A_386, %mul3A_388 : vector<16xi32>
    %and3A_390 = arith.constant 7 : i32
    %and3A_391 = vector.broadcast %and3A_390 : i32 to vector<16xi32>
    %and3A_392 = arith.andi %add3A_376, %and3A_391 : vector<16xi32>
    %shift_left3A_393 = arith.constant 7 : i32
    %shift_left3A_394 = vector.broadcast %shift_left3A_393 : i32 to vector<16xi32>
    %shift_left3A_395 = arith.shli %and3A_392, %shift_left3A_394 : vector<16xi32>
    %add3A_396 = arith.addi %mul3A_389, %shift_left3A_395 : vector<16xi32>
    %and3A_397 = arith.constant 127 : i32
    %and3A_398 = vector.broadcast %and3A_397 : i32 to vector<16xi32>
    %and3A_399 = arith.andi %get3A_372, %and3A_398 : vector<16xi32>
    %add3A_400 = arith.addi %add3A_396, %and3A_399 : vector<16xi32>
    %swap3A_401 = arith.constant 0 : index
    %swap3A_402 = tpu.vector_load %arg7[%swap3A_401] {strides = array<i32>} : memref<128xi32, #tpu.memory_space<vmem>>, vector<16xi32>,
    %swap3A_403 = vector.shape_cast %swap3A_402 : vector<16xi32> to vector<16xi32>
    %swap3A_404 = vector.shape_cast %add3A_400 : vector<16xi32> to vector<16xi32>
    tpu.vector_store %arg7[%swap3A_401], %swap3A_404 {strides = array<i32>} : memref<128xi32, #tpu.memory_space<vmem>>, vector<16xi32>,
    %eq3A_405 = arith.constant 0 : i32
    %eq3A_406 = vector.broadcast %eq3A_405 : i32 to vector<16xi32>
    %eq3A_407 = arith.cmpi eq, %get3A_372, %eq3A_406 : vector<16xi32>
    %jit3A_408 = arith.constant 0.000000e+00 : f32
    %jit3A_409 = arith.constant 0.899999976 : f32
    %broadcast_in_dim3A_410 = vector.broadcast %jit3A_408 : f32 to vector<16xf32>
    %broadcast_in_dim3A_411 = vector.broadcast %jit3A_409 : f32 to vector<16xf32>
    %select_n3A_412 = arith.select %eq3A_407, %broadcast_in_dim3A_410, %broadcast_in_dim3A_411 : vector<16xi1>, vector<16xf32>
    %swap3A_413 = arith.constant 0 : index
    %swap3A_414 = tpu.vector_load %arg9[%swap3A_413] {strides = array<i32>} : memref<128xf32, #tpu.memory_space<vmem>>, vector<16xf32>,
    %swap3A_415 = vector.shape_cast %swap3A_414 : vector<16xf32> to vector<16xf32>
    %swap3A_416 = vector.shape_cast %select_n3A_412 : vector<16xf32> to vector<16xf32>
    tpu.vector_store %arg9[%swap3A_413], %swap3A_416 {strides = array<i32>} : memref<128xf32, #tpu.memory_space<vmem>>, vector<16xf32>,
    %get3A_417 = arith.constant 144 : index
    %get3A_418 = tpu.vector_load %arg5[%get3A_417] {strides = array<i32>} : memref<256xi32, #tpu.memory_space<vmem>>, vector<16xi32>,
    %get3A_419 = vector.shape_cast %get3A_418 : vector<16xi32> to vector<16xi32>
    %add3A_420 = arith.constant 144 : i32
    %add3A_421 = arith.addi %mul3A_2, %add3A_420 : i32
    %add3A_422 = vector.broadcast %add3A_421 : i32 to vector<16xi32>
    %add3A_423 = arith.addi %add3A_422, %iota3A : vector<16xi32>
    %shift_right_arithmetic3A_424 = arith.constant 3 : i32
    %shift_right_arithmetic3A_425 = vector.broadcast %shift_right_arithmetic3A_424 : i32 to vector<16xi32>
    %shift_right_arithmetic3A_426 = arith.shrsi %add3A_423, %shift_right_arithmetic3A_425 : vector<16xi32>
    %mul3A_427 = arith.constant 250 : i32
    %mul3A_428 = vector.broadcast %mul3A_427 : i32 to vector<16xi32>
    %mul3A_429 = arith.muli %shift_right_arithmetic3A_426, %mul3A_428 : vector<16xi32>
    %shift_right_arithmetic3A_430 = arith.constant 7 : i32
    %shift_right_arithmetic3A_431 = vector.broadcast %shift_right_arithmetic3A_430 : i32 to vector<16xi32>
    %shift_right_arithmetic3A_432 = arith.shrsi %get3A_419, %shift_right_arithmetic3A_431 : vector<16xi32>
    %add3A_433 = arith.addi %mul3A_429, %shift_right_arithmetic3A_432 : vector<16xi32>
    %mul3A_434 = arith.constant 1024 : i32
    %mul3A_435 = vector.broadcast %mul3A_434 : i32 to vector<16xi32>
    %mul3A_436 = arith.muli %add3A_433, %mul3A_435 : vector<16xi32>
    %and3A_437 = arith.constant 7 : i32
    %and3A_438 = vector.broadcast %and3A_437 : i32 to vector<16xi32>
    %and3A_439 = arith.andi %add3A_423, %and3A_438 : vector<16xi32>
    %shift_left3A_440 = arith.constant 7 : i32
    %shift_left3A_441 = vector.broadcast %shift_left3A_440 : i32 to vector<16xi32>
    %shift_left3A_442 = arith.shli %and3A_439, %shift_left3A_441 : vector<16xi32>
    %add3A_443 = arith.addi %mul3A_436, %shift_left3A_442 : vector<16xi32>
    %and3A_444 = arith.constant 127 : i32
    %and3A_445 = vector.broadcast %and3A_444 : i32 to vector<16xi32>
    %and3A_446 = arith.andi %get3A_419, %and3A_445 : vector<16xi32>
    %add3A_447 = arith.addi %add3A_443, %and3A_446 : vector<16xi32>
    %swap3A_448 = arith.constant 16 : index
    %swap3A_449 = tpu.vector_load %arg7[%swap3A_448] {strides = array<i32>} : memref<128xi32, #tpu.memory_space<vmem>>, vector<16xi32>,
    %swap3A_450 = vector.shape_cast %swap3A_449 : vector<16xi32> to vector<16xi32>
    %swap3A_451 = vector.shape_cast %add3A_447 : vector<16xi32> to vector<16xi32>
    tpu.vector_store %arg7[%swap3A_448], %swap3A_451 {strides = array<i32>} : memref<128xi32, #tpu.memory_space<vmem>>, vector<16xi32>,
    %eq3A_452 = arith.constant 0 : i32
    %eq3A_453 = vector.broadcast %eq3A_452 : i32 to vector<16xi32>
    %eq3A_454 = arith.cmpi eq, %get3A_419, %eq3A_453 : vector<16xi32>
    %jit3A_455 = arith.constant 0.000000e+00 : f32
    %jit3A_456 = arith.constant 0.899999976 : f32
    %broadcast_in_dim3A_457 = vector.broadcast %jit3A_455 : f32 to vector<16xf32>
    %broadcast_in_dim3A_458 = vector.broadcast %jit3A_456 : f32 to vector<16xf32>
    %select_n3A_459 = arith.select %eq3A_454, %broadcast_in_dim3A_457, %broadcast_in_dim3A_458 : vector<16xi1>, vector<16xf32>
    %swap3A_460 = arith.constant 16 : index
    %swap3A_461 = tpu.vector_load %arg9[%swap3A_460] {strides = array<i32>} : memref<128xf32, #tpu.memory_space<vmem>>, vector<16xf32>,
    %swap3A_462 = vector.shape_cast %swap3A_461 : vector<16xf32> to vector<16xf32>
    %swap3A_463 = vector.shape_cast %select_n3A_459 : vector<16xf32> to vector<16xf32>
    tpu.vector_store %arg9[%swap3A_460], %swap3A_463 {strides = array<i32>} : memref<128xf32, #tpu.memory_space<vmem>>, vector<16xf32>,
    %get3A_464 = arith.constant 160 : index
    %get3A_465 = tpu.vector_load %arg5[%get3A_464] {strides = array<i32>} : memref<256xi32, #tpu.memory_space<vmem>>, vector<16xi32>,
    %get3A_466 = vector.shape_cast %get3A_465 : vector<16xi32> to vector<16xi32>
    %add3A_467 = arith.constant 160 : i32
    %add3A_468 = arith.addi %mul3A_2, %add3A_467 : i32
    %add3A_469 = vector.broadcast %add3A_468 : i32 to vector<16xi32>
    %add3A_470 = arith.addi %add3A_469, %iota3A : vector<16xi32>
    %shift_right_arithmetic3A_471 = arith.constant 3 : i32
    %shift_right_arithmetic3A_472 = vector.broadcast %shift_right_arithmetic3A_471 : i32 to vector<16xi32>
    %shift_right_arithmetic3A_473 = arith.shrsi %add3A_470, %shift_right_arithmetic3A_472 : vector<16xi32>
    %mul3A_474 = arith.constant 250 : i32
    %mul3A_475 = vector.broadcast %mul3A_474 : i32 to vector<16xi32>
    %mul3A_476 = arith.muli %shift_right_arithmetic3A_473, %mul3A_475 : vector<16xi32>
    %shift_right_arithmetic3A_477 = arith.constant 7 : i32
    %shift_right_arithmetic3A_478 = vector.broadcast %shift_right_arithmetic3A_477 : i32 to vector<16xi32>
    %shift_right_arithmetic3A_479 = arith.shrsi %get3A_466, %shift_right_arithmetic3A_478 : vector<16xi32>
    %add3A_480 = arith.addi %mul3A_476, %shift_right_arithmetic3A_479 : vector<16xi32>
    %mul3A_481 = arith.constant 1024 : i32
    %mul3A_482 = vector.broadcast %mul3A_481 : i32 to vector<16xi32>
    %mul3A_483 = arith.muli %add3A_480, %mul3A_482 : vector<16xi32>
    %and3A_484 = arith.constant 7 : i32
    %and3A_485 = vector.broadcast %and3A_484 : i32 to vector<16xi32>
    %and3A_486 = arith.andi %add3A_470, %and3A_485 : vector<16xi32>
    %shift_left3A_487 = arith.constant 7 : i32
    %shift_left3A_488 = vector.broadcast %shift_left3A_487 : i32 to vector<16xi32>
    %shift_left3A_489 = arith.shli %and3A_486, %shift_left3A_488 : vector<16xi32>
    %add3A_490 = arith.addi %mul3A_483, %shift_left3A_489 : vector<16xi32>
    %and3A_491 = arith.constant 127 : i32
    %and3A_492 = vector.broadcast %and3A_491 : i32 to vector<16xi32>
    %and3A_493 = arith.andi %get3A_466, %and3A_492 : vector<16xi32>
    %add3A_494 = arith.addi %add3A_490, %and3A_493 : vector<16xi32>
    %swap3A_495 = arith.constant 32 : index
    %swap3A_496 = tpu.vector_load %arg7[%swap3A_495] {strides = array<i32>} : memref<128xi32, #tpu.memory_space<vmem>>, vector<16xi32>,
    %swap3A_497 = vector.shape_cast %swap3A_496 : vector<16xi32> to vector<16xi32>
    %swap3A_498 = vector.shape_cast %add3A_494 : vector<16xi32> to vector<16xi32>
    tpu.vector_store %arg7[%swap3A_495], %swap3A_498 {strides = array<i32>} : memref<128xi32, #tpu.memory_space<vmem>>, vector<16xi32>,
    %eq3A_499 = arith.constant 0 : i32
    %eq3A_500 = vector.broadcast %eq3A_499 : i32 to vector<16xi32>
    %eq3A_501 = arith.cmpi eq, %get3A_466, %eq3A_500 : vector<16xi32>
    %jit3A_502 = arith.constant 0.000000e+00 : f32
    %jit3A_503 = arith.constant 0.899999976 : f32
    %broadcast_in_dim3A_504 = vector.broadcast %jit3A_502 : f32 to vector<16xf32>
    %broadcast_in_dim3A_505 = vector.broadcast %jit3A_503 : f32 to vector<16xf32>
    %select_n3A_506 = arith.select %eq3A_501, %broadcast_in_dim3A_504, %broadcast_in_dim3A_505 : vector<16xi1>, vector<16xf32>
    %swap3A_507 = arith.constant 32 : index
    %swap3A_508 = tpu.vector_load %arg9[%swap3A_507] {strides = array<i32>} : memref<128xf32, #tpu.memory_space<vmem>>, vector<16xf32>,
    %swap3A_509 = vector.shape_cast %swap3A_508 : vector<16xf32> to vector<16xf32>
    %swap3A_510 = vector.shape_cast %select_n3A_506 : vector<16xf32> to vector<16xf32>
    tpu.vector_store %arg9[%swap3A_507], %swap3A_510 {strides = array<i32>} : memref<128xf32, #tpu.memory_space<vmem>>, vector<16xf32>,
    %get3A_511 = arith.constant 176 : index
    %get3A_512 = tpu.vector_load %arg5[%get3A_511] {strides = array<i32>} : memref<256xi32, #tpu.memory_space<vmem>>, vector<16xi32>,
    %get3A_513 = vector.shape_cast %get3A_512 : vector<16xi32> to vector<16xi32>
    %add3A_514 = arith.constant 176 : i32
    %add3A_515 = arith.addi %mul3A_2, %add3A_514 : i32
    %add3A_516 = vector.broadcast %add3A_515 : i32 to vector<16xi32>
    %add3A_517 = arith.addi %add3A_516, %iota3A : vector<16xi32>
    %shift_right_arithmetic3A_518 = arith.constant 3 : i32
    %shift_right_arithmetic3A_519 = vector.broadcast %shift_right_arithmetic3A_518 : i32 to vector<16xi32>
    %shift_right_arithmetic3A_520 = arith.shrsi %add3A_517, %shift_right_arithmetic3A_519 : vector<16xi32>
    %mul3A_521 = arith.constant 250 : i32
    %mul3A_522 = vector.broadcast %mul3A_521 : i32 to vector<16xi32>
    %mul3A_523 = arith.muli %shift_right_arithmetic3A_520, %mul3A_522 : vector<16xi32>
    %shift_right_arithmetic3A_524 = arith.constant 7 : i32
    %shift_right_arithmetic3A_525 = vector.broadcast %shift_right_arithmetic3A_524 : i32 to vector<16xi32>
    %shift_right_arithmetic3A_526 = arith.shrsi %get3A_513, %shift_right_arithmetic3A_525 : vector<16xi32>
    %add3A_527 = arith.addi %mul3A_523, %shift_right_arithmetic3A_526 : vector<16xi32>
    %mul3A_528 = arith.constant 1024 : i32
    %mul3A_529 = vector.broadcast %mul3A_528 : i32 to vector<16xi32>
    %mul3A_530 = arith.muli %add3A_527, %mul3A_529 : vector<16xi32>
    %and3A_531 = arith.constant 7 : i32
    %and3A_532 = vector.broadcast %and3A_531 : i32 to vector<16xi32>
    %and3A_533 = arith.andi %add3A_517, %and3A_532 : vector<16xi32>
    %shift_left3A_534 = arith.constant 7 : i32
    %shift_left3A_535 = vector.broadcast %shift_left3A_534 : i32 to vector<16xi32>
    %shift_left3A_536 = arith.shli %and3A_533, %shift_left3A_535 : vector<16xi32>
    %add3A_537 = arith.addi %mul3A_530, %shift_left3A_536 : vector<16xi32>
    %and3A_538 = arith.constant 127 : i32
    %and3A_539 = vector.broadcast %and3A_538 : i32 to vector<16xi32>
    %and3A_540 = arith.andi %get3A_513, %and3A_539 : vector<16xi32>
    %add3A_541 = arith.addi %add3A_537, %and3A_540 : vector<16xi32>
    %swap3A_542 = arith.constant 48 : index
    %swap3A_543 = tpu.vector_load %arg7[%swap3A_542] {strides = array<i32>} : memref<128xi32, #tpu.memory_space<vmem>>, vector<16xi32>,
    %swap3A_544 = vector.shape_cast %swap3A_543 : vector<16xi32> to vector<16xi32>
    %swap3A_545 = vector.shape_cast %add3A_541 : vector<16xi32> to vector<16xi32>
    tpu.vector_store %arg7[%swap3A_542], %swap3A_545 {strides = array<i32>} : memref<128xi32, #tpu.memory_space<vmem>>, vector<16xi32>,
    %eq3A_546 = arith.constant 0 : i32
    %eq3A_547 = vector.broadcast %eq3A_546 : i32 to vector<16xi32>
    %eq3A_548 = arith.cmpi eq, %get3A_513, %eq3A_547 : vector<16xi32>
    %jit3A_549 = arith.constant 0.000000e+00 : f32
    %jit3A_550 = arith.constant 0.899999976 : f32
    %broadcast_in_dim3A_551 = vector.broadcast %jit3A_549 : f32 to vector<16xf32>
    %broadcast_in_dim3A_552 = vector.broadcast %jit3A_550 : f32 to vector<16xf32>
    %select_n3A_553 = arith.select %eq3A_548, %broadcast_in_dim3A_551, %broadcast_in_dim3A_552 : vector<16xi1>, vector<16xf32>
    %swap3A_554 = arith.constant 48 : index
    %swap3A_555 = tpu.vector_load %arg9[%swap3A_554] {strides = array<i32>} : memref<128xf32, #tpu.memory_space<vmem>>, vector<16xf32>,
    %swap3A_556 = vector.shape_cast %swap3A_555 : vector<16xf32> to vector<16xf32>
    %swap3A_557 = vector.shape_cast %select_n3A_553 : vector<16xf32> to vector<16xf32>
    tpu.vector_store %arg9[%swap3A_554], %swap3A_557 {strides = array<i32>} : memref<128xf32, #tpu.memory_space<vmem>>, vector<16xf32>,
    %get3A_558 = arith.constant 192 : index
    %get3A_559 = tpu.vector_load %arg5[%get3A_558] {strides = array<i32>} : memref<256xi32, #tpu.memory_space<vmem>>, vector<16xi32>,
    %get3A_560 = vector.shape_cast %get3A_559 : vector<16xi32> to vector<16xi32>
    %add3A_561 = arith.constant 192 : i32
    %add3A_562 = arith.addi %mul3A_2, %add3A_561 : i32
    %add3A_563 = vector.broadcast %add3A_562 : i32 to vector<16xi32>
    %add3A_564 = arith.addi %add3A_563, %iota3A : vector<16xi32>
    %shift_right_arithmetic3A_565 = arith.constant 3 : i32
    %shift_right_arithmetic3A_566 = vector.broadcast %shift_right_arithmetic3A_565 : i32 to vector<16xi32>
    %shift_right_arithmetic3A_567 = arith.shrsi %add3A_564, %shift_right_arithmetic3A_566 : vector<16xi32>
    %mul3A_568 = arith.constant 250 : i32
    %mul3A_569 = vector.broadcast %mul3A_568 : i32 to vector<16xi32>
    %mul3A_570 = arith.muli %shift_right_arithmetic3A_567, %mul3A_569 : vector<16xi32>
    %shift_right_arithmetic3A_571 = arith.constant 7 : i32
    %shift_right_arithmetic3A_572 = vector.broadcast %shift_right_arithmetic3A_571 : i32 to vector<16xi32>
    %shift_right_arithmetic3A_573 = arith.shrsi %get3A_560, %shift_right_arithmetic3A_572 : vector<16xi32>
    %add3A_574 = arith.addi %mul3A_570, %shift_right_arithmetic3A_573 : vector<16xi32>
    %mul3A_575 = arith.constant 1024 : i32
    %mul3A_576 = vector.broadcast %mul3A_575 : i32 to vector<16xi32>
    %mul3A_577 = arith.muli %add3A_574, %mul3A_576 : vector<16xi32>
    %and3A_578 = arith.constant 7 : i32
    %and3A_579 = vector.broadcast %and3A_578 : i32 to vector<16xi32>
    %and3A_580 = arith.andi %add3A_564, %and3A_579 : vector<16xi32>
    %shift_left3A_581 = arith.constant 7 : i32
    %shift_left3A_582 = vector.broadcast %shift_left3A_581 : i32 to vector<16xi32>
    %shift_left3A_583 = arith.shli %and3A_580, %shift_left3A_582 : vector<16xi32>
    %add3A_584 = arith.addi %mul3A_577, %shift_left3A_583 : vector<16xi32>
    %and3A_585 = arith.constant 127 : i32
    %and3A_586 = vector.broadcast %and3A_585 : i32 to vector<16xi32>
    %and3A_587 = arith.andi %get3A_560, %and3A_586 : vector<16xi32>
    %add3A_588 = arith.addi %add3A_584, %and3A_587 : vector<16xi32>
    %swap3A_589 = arith.constant 64 : index
    %swap3A_590 = tpu.vector_load %arg7[%swap3A_589] {strides = array<i32>} : memref<128xi32, #tpu.memory_space<vmem>>, vector<16xi32>,
    %swap3A_591 = vector.shape_cast %swap3A_590 : vector<16xi32> to vector<16xi32>
    %swap3A_592 = vector.shape_cast %add3A_588 : vector<16xi32> to vector<16xi32>
    tpu.vector_store %arg7[%swap3A_589], %swap3A_592 {strides = array<i32>} : memref<128xi32, #tpu.memory_space<vmem>>, vector<16xi32>,
    %eq3A_593 = arith.constant 0 : i32
    %eq3A_594 = vector.broadcast %eq3A_593 : i32 to vector<16xi32>
    %eq3A_595 = arith.cmpi eq, %get3A_560, %eq3A_594 : vector<16xi32>
    %jit3A_596 = arith.constant 0.000000e+00 : f32
    %jit3A_597 = arith.constant 0.899999976 : f32
    %broadcast_in_dim3A_598 = vector.broadcast %jit3A_596 : f32 to vector<16xf32>
    %broadcast_in_dim3A_599 = vector.broadcast %jit3A_597 : f32 to vector<16xf32>
    %select_n3A_600 = arith.select %eq3A_595, %broadcast_in_dim3A_598, %broadcast_in_dim3A_599 : vector<16xi1>, vector<16xf32>
    %swap3A_601 = arith.constant 64 : index
    %swap3A_602 = tpu.vector_load %arg9[%swap3A_601] {strides = array<i32>} : memref<128xf32, #tpu.memory_space<vmem>>, vector<16xf32>,
    %swap3A_603 = vector.shape_cast %swap3A_602 : vector<16xf32> to vector<16xf32>
    %swap3A_604 = vector.shape_cast %select_n3A_600 : vector<16xf32> to vector<16xf32>
    tpu.vector_store %arg9[%swap3A_601], %swap3A_604 {strides = array<i32>} : memref<128xf32, #tpu.memory_space<vmem>>, vector<16xf32>,
    %get3A_605 = arith.constant 208 : index
    %get3A_606 = tpu.vector_load %arg5[%get3A_605] {strides = array<i32>} : memref<256xi32, #tpu.memory_space<vmem>>, vector<16xi32>,
    %get3A_607 = vector.shape_cast %get3A_606 : vector<16xi32> to vector<16xi32>
    %add3A_608 = arith.constant 208 : i32
    %add3A_609 = arith.addi %mul3A_2, %add3A_608 : i32
    %add3A_610 = vector.broadcast %add3A_609 : i32 to vector<16xi32>
    %add3A_611 = arith.addi %add3A_610, %iota3A : vector<16xi32>
    %shift_right_arithmetic3A_612 = arith.constant 3 : i32
    %shift_right_arithmetic3A_613 = vector.broadcast %shift_right_arithmetic3A_612 : i32 to vector<16xi32>
    %shift_right_arithmetic3A_614 = arith.shrsi %add3A_611, %shift_right_arithmetic3A_613 : vector<16xi32>
    %mul3A_615 = arith.constant 250 : i32
    %mul3A_616 = vector.broadcast %mul3A_615 : i32 to vector<16xi32>
    %mul3A_617 = arith.muli %shift_right_arithmetic3A_614, %mul3A_616 : vector<16xi32>
    %shift_right_arithmetic3A_618 = arith.constant 7 : i32
    %shift_right_arithmetic3A_619 = vector.broadcast %shift_right_arithmetic3A_618 : i32 to vector<16xi32>
    %shift_right_arithmetic3A_620 = arith.shrsi %get3A_607, %shift_right_arithmetic3A_619 : vector<16xi32>
    %add3A_621 = arith.addi %mul3A_617, %shift_right_arithmetic3A_620 : vector<16xi32>
    %mul3A_622 = arith.constant 1024 : i32
    %mul3A_623 = vector.broadcast %mul3A_622 : i32 to vector<16xi32>
    %mul3A_624 = arith.muli %add3A_621, %mul3A_623 : vector<16xi32>
    %and3A_625 = arith.constant 7 : i32
    %and3A_626 = vector.broadcast %and3A_625 : i32 to vector<16xi32>
    %and3A_627 = arith.andi %add3A_611, %and3A_626 : vector<16xi32>
    %shift_left3A_628 = arith.constant 7 : i32
    %shift_left3A_629 = vector.broadcast %shift_left3A_628 : i32 to vector<16xi32>
    %shift_left3A_630 = arith.shli %and3A_627, %shift_left3A_629 : vector<16xi32>
    %add3A_631 = arith.addi %mul3A_624, %shift_left3A_630 : vector<16xi32>
    %and3A_632 = arith.constant 127 : i32
    %and3A_633 = vector.broadcast %and3A_632 : i32 to vector<16xi32>
    %and3A_634 = arith.andi %get3A_607, %and3A_633 : vector<16xi32>
    %add3A_635 = arith.addi %add3A_631, %and3A_634 : vector<16xi32>
    %swap3A_636 = arith.constant 80 : index
    %swap3A_637 = tpu.vector_load %arg7[%swap3A_636] {strides = array<i32>} : memref<128xi32, #tpu.memory_space<vmem>>, vector<16xi32>,
    %swap3A_638 = vector.shape_cast %swap3A_637 : vector<16xi32> to vector<16xi32>
    %swap3A_639 = vector.shape_cast %add3A_635 : vector<16xi32> to vector<16xi32>
    tpu.vector_store %arg7[%swap3A_636], %swap3A_639 {strides = array<i32>} : memref<128xi32, #tpu.memory_space<vmem>>, vector<16xi32>,
    %eq3A_640 = arith.constant 0 : i32
    %eq3A_641 = vector.broadcast %eq3A_640 : i32 to vector<16xi32>
    %eq3A_642 = arith.cmpi eq, %get3A_607, %eq3A_641 : vector<16xi32>
    %jit3A_643 = arith.constant 0.000000e+00 : f32
    %jit3A_644 = arith.constant 0.899999976 : f32
    %broadcast_in_dim3A_645 = vector.broadcast %jit3A_643 : f32 to vector<16xf32>
    %broadcast_in_dim3A_646 = vector.broadcast %jit3A_644 : f32 to vector<16xf32>
    %select_n3A_647 = arith.select %eq3A_642, %broadcast_in_dim3A_645, %broadcast_in_dim3A_646 : vector<16xi1>, vector<16xf32>
    %swap3A_648 = arith.constant 80 : index
    %swap3A_649 = tpu.vector_load %arg9[%swap3A_648] {strides = array<i32>} : memref<128xf32, #tpu.memory_space<vmem>>, vector<16xf32>,
    %swap3A_650 = vector.shape_cast %swap3A_649 : vector<16xf32> to vector<16xf32>
    %swap3A_651 = vector.shape_cast %select_n3A_647 : vector<16xf32> to vector<16xf32>
    tpu.vector_store %arg9[%swap3A_648], %swap3A_651 {strides = array<i32>} : memref<128xf32, #tpu.memory_space<vmem>>, vector<16xf32>,
    %get3A_652 = arith.constant 224 : index
    %get3A_653 = tpu.vector_load %arg5[%get3A_652] {strides = array<i32>} : memref<256xi32, #tpu.memory_space<vmem>>, vector<16xi32>,
    %get3A_654 = vector.shape_cast %get3A_653 : vector<16xi32> to vector<16xi32>
    %add3A_655 = arith.constant 224 : i32
    %add3A_656 = arith.addi %mul3A_2, %add3A_655 : i32
    %add3A_657 = vector.broadcast %add3A_656 : i32 to vector<16xi32>
    %add3A_658 = arith.addi %add3A_657, %iota3A : vector<16xi32>
    %shift_right_arithmetic3A_659 = arith.constant 3 : i32
    %shift_right_arithmetic3A_660 = vector.broadcast %shift_right_arithmetic3A_659 : i32 to vector<16xi32>
    %shift_right_arithmetic3A_661 = arith.shrsi %add3A_658, %shift_right_arithmetic3A_660 : vector<16xi32>
    %mul3A_662 = arith.constant 250 : i32
    %mul3A_663 = vector.broadcast %mul3A_662 : i32 to vector<16xi32>
    %mul3A_664 = arith.muli %shift_right_arithmetic3A_661, %mul3A_663 : vector<16xi32>
    %shift_right_arithmetic3A_665 = arith.constant 7 : i32
    %shift_right_arithmetic3A_666 = vector.broadcast %shift_right_arithmetic3A_665 : i32 to vector<16xi32>
    %shift_right_arithmetic3A_667 = arith.shrsi %get3A_654, %shift_right_arithmetic3A_666 : vector<16xi32>
    %add3A_668 = arith.addi %mul3A_664, %shift_right_arithmetic3A_667 : vector<16xi32>
    %mul3A_669 = arith.constant 1024 : i32
    %mul3A_670 = vector.broadcast %mul3A_669 : i32 to vector<16xi32>
    %mul3A_671 = arith.muli %add3A_668, %mul3A_670 : vector<16xi32>
    %and3A_672 = arith.constant 7 : i32
    %and3A_673 = vector.broadcast %and3A_672 : i32 to vector<16xi32>
    %and3A_674 = arith.andi %add3A_658, %and3A_673 : vector<16xi32>
    %shift_left3A_675 = arith.constant 7 : i32
    %shift_left3A_676 = vector.broadcast %shift_left3A_675 : i32 to vector<16xi32>
    %shift_left3A_677 = arith.shli %and3A_674, %shift_left3A_676 : vector<16xi32>
    %add3A_678 = arith.addi %mul3A_671, %shift_left3A_677 : vector<16xi32>
    %and3A_679 = arith.constant 127 : i32
    %and3A_680 = vector.broadcast %and3A_679 : i32 to vector<16xi32>
    %and3A_681 = arith.andi %get3A_654, %and3A_680 : vector<16xi32>
    %add3A_682 = arith.addi %add3A_678, %and3A_681 : vector<16xi32>
    %swap3A_683 = arith.constant 96 : index
    %swap3A_684 = tpu.vector_load %arg7[%swap3A_683] {strides = array<i32>} : memref<128xi32, #tpu.memory_space<vmem>>, vector<16xi32>,
    %swap3A_685 = vector.shape_cast %swap3A_684 : vector<16xi32> to vector<16xi32>
    %swap3A_686 = vector.shape_cast %add3A_682 : vector<16xi32> to vector<16xi32>
    tpu.vector_store %arg7[%swap3A_683], %swap3A_686 {strides = array<i32>} : memref<128xi32, #tpu.memory_space<vmem>>, vector<16xi32>,
    %eq3A_687 = arith.constant 0 : i32
    %eq3A_688 = vector.broadcast %eq3A_687 : i32 to vector<16xi32>
    %eq3A_689 = arith.cmpi eq, %get3A_654, %eq3A_688 : vector<16xi32>
    %jit3A_690 = arith.constant 0.000000e+00 : f32
    %jit3A_691 = arith.constant 0.899999976 : f32
    %broadcast_in_dim3A_692 = vector.broadcast %jit3A_690 : f32 to vector<16xf32>
    %broadcast_in_dim3A_693 = vector.broadcast %jit3A_691 : f32 to vector<16xf32>
    %select_n3A_694 = arith.select %eq3A_689, %broadcast_in_dim3A_692, %broadcast_in_dim3A_693 : vector<16xi1>, vector<16xf32>
    %swap3A_695 = arith.constant 96 : index
    %swap3A_696 = tpu.vector_load %arg9[%swap3A_695] {strides = array<i32>} : memref<128xf32, #tpu.memory_space<vmem>>, vector<16xf32>,
    %swap3A_697 = vector.shape_cast %swap3A_696 : vector<16xf32> to vector<16xf32>
    %swap3A_698 = vector.shape_cast %select_n3A_694 : vector<16xf32> to vector<16xf32>
    tpu.vector_store %arg9[%swap3A_695], %swap3A_698 {strides = array<i32>} : memref<128xf32, #tpu.memory_space<vmem>>, vector<16xf32>,
    %get3A_699 = arith.constant 240 : index
    %get3A_700 = tpu.vector_load %arg5[%get3A_699] {strides = array<i32>} : memref<256xi32, #tpu.memory_space<vmem>>, vector<16xi32>,
    %get3A_701 = vector.shape_cast %get3A_700 : vector<16xi32> to vector<16xi32>
    %add3A_702 = arith.constant 240 : i32
    %add3A_703 = arith.addi %mul3A_2, %add3A_702 : i32
    %add3A_704 = vector.broadcast %add3A_703 : i32 to vector<16xi32>
    %add3A_705 = arith.addi %add3A_704, %iota3A : vector<16xi32>
    %shift_right_arithmetic3A_706 = arith.constant 3 : i32
    %shift_right_arithmetic3A_707 = vector.broadcast %shift_right_arithmetic3A_706 : i32 to vector<16xi32>
    %shift_right_arithmetic3A_708 = arith.shrsi %add3A_705, %shift_right_arithmetic3A_707 : vector<16xi32>
    %mul3A_709 = arith.constant 250 : i32
    %mul3A_710 = vector.broadcast %mul3A_709 : i32 to vector<16xi32>
    %mul3A_711 = arith.muli %shift_right_arithmetic3A_708, %mul3A_710 : vector<16xi32>
    %shift_right_arithmetic3A_712 = arith.constant 7 : i32
    %shift_right_arithmetic3A_713 = vector.broadcast %shift_right_arithmetic3A_712 : i32 to vector<16xi32>
    %shift_right_arithmetic3A_714 = arith.shrsi %get3A_701, %shift_right_arithmetic3A_713 : vector<16xi32>
    %add3A_715 = arith.addi %mul3A_711, %shift_right_arithmetic3A_714 : vector<16xi32>
    %mul3A_716 = arith.constant 1024 : i32
    %mul3A_717 = vector.broadcast %mul3A_716 : i32 to vector<16xi32>
    %mul3A_718 = arith.muli %add3A_715, %mul3A_717 : vector<16xi32>
    %and3A_719 = arith.constant 7 : i32
    %and3A_720 = vector.broadcast %and3A_719 : i32 to vector<16xi32>
    %and3A_721 = arith.andi %add3A_705, %and3A_720 : vector<16xi32>
    %shift_left3A_722 = arith.constant 7 : i32
    %shift_left3A_723 = vector.broadcast %shift_left3A_722 : i32 to vector<16xi32>
    %shift_left3A_724 = arith.shli %and3A_721, %shift_left3A_723 : vector<16xi32>
    %add3A_725 = arith.addi %mul3A_718, %shift_left3A_724 : vector<16xi32>
    %and3A_726 = arith.constant 127 : i32
    %and3A_727 = vector.broadcast %and3A_726 : i32 to vector<16xi32>
    %and3A_728 = arith.andi %get3A_701, %and3A_727 : vector<16xi32>
    %add3A_729 = arith.addi %add3A_725, %and3A_728 : vector<16xi32>
    %swap3A_730 = arith.constant 112 : index
    %swap3A_731 = tpu.vector_load %arg7[%swap3A_730] {strides = array<i32>} : memref<128xi32, #tpu.memory_space<vmem>>, vector<16xi32>,
    %swap3A_732 = vector.shape_cast %swap3A_731 : vector<16xi32> to vector<16xi32>
    %swap3A_733 = vector.shape_cast %add3A_729 : vector<16xi32> to vector<16xi32>
    tpu.vector_store %arg7[%swap3A_730], %swap3A_733 {strides = array<i32>} : memref<128xi32, #tpu.memory_space<vmem>>, vector<16xi32>,
    %eq3A_734 = arith.constant 0 : i32
    %eq3A_735 = vector.broadcast %eq3A_734 : i32 to vector<16xi32>
    %eq3A_736 = arith.cmpi eq, %get3A_701, %eq3A_735 : vector<16xi32>
    %jit3A_737 = arith.constant 0.000000e+00 : f32
    %jit3A_738 = arith.constant 0.899999976 : f32
    %broadcast_in_dim3A_739 = vector.broadcast %jit3A_737 : f32 to vector<16xf32>
    %broadcast_in_dim3A_740 = vector.broadcast %jit3A_738 : f32 to vector<16xf32>
    %select_n3A_741 = arith.select %eq3A_736, %broadcast_in_dim3A_739, %broadcast_in_dim3A_740 : vector<16xi1>, vector<16xf32>
    %swap3A_742 = arith.constant 112 : index
    %swap3A_743 = tpu.vector_load %arg9[%swap3A_742] {strides = array<i32>} : memref<128xf32, #tpu.memory_space<vmem>>, vector<16xf32>,
    %swap3A_744 = vector.shape_cast %swap3A_743 : vector<16xf32> to vector<16xf32>
    %swap3A_745 = vector.shape_cast %select_n3A_741 : vector<16xf32> to vector<16xf32>
    tpu.vector_store %arg9[%swap3A_742], %swap3A_745 {strides = array<i32>} : memref<128xf32, #tpu.memory_space<vmem>>, vector<16xf32>,
    %dma_start3A = arith.constant 0 : i32
    %dma_start3A_746 = tpu.memref_slice %arg3[%dma_start3A] : memref<131072000xf32, #tpu.memory_space<hbm>> -> memref<131072000xf32, #tpu.memory_space<hbm>>
    tpu.enqueue_indirect_dma source(%arg8 : memref<128xf32, #tpu.memory_space<vmem>>) target(%dma_start3A_746 : memref<131072000xf32, #tpu.memory_space<hbm>>) offsets(%arg6 : memref<128xi32, #tpu.memory_space<vmem>>) semaphore(%arg10 : memref<!tpu.dma_semaphore, #tpu.memory_space<semaphore_mem>>)
    %dma_start3A_747 = arith.constant 0 : i32
    %dma_start3A_748 = tpu.memref_slice %arg3[%dma_start3A_747] : memref<131072000xf32, #tpu.memory_space<hbm>> -> memref<131072000xf32, #tpu.memory_space<hbm>>
    tpu.enqueue_indirect_dma source(%arg9 : memref<128xf32, #tpu.memory_space<vmem>>) target(%dma_start3A_748 : memref<131072000xf32, #tpu.memory_space<hbm>>) offsets(%arg7 : memref<128xi32, #tpu.memory_space<vmem>>) semaphore(%arg10 : memref<!tpu.dma_semaphore, #tpu.memory_space<semaphore_mem>>)
    %dma_wait3A = arith.constant 0 : i32
    %dma_wait3A_749 = tpu.memref_slice %arg3[%dma_wait3A] : memref<131072000xf32, #tpu.memory_space<hbm>> -> memref<131072000xf32, #tpu.memory_space<hbm>>
    tpu.wait_indirect_dma semaphore(%arg10 : memref<!tpu.dma_semaphore, #tpu.memory_space<semaphore_mem>>) src(%arg8 : memref<128xf32, #tpu.memory_space<vmem>>) dst(%dma_wait3A_749 : memref<131072000xf32, #tpu.memory_space<hbm>>)
    %dma_wait3A_750 = arith.constant 0 : i32
    %dma_wait3A_751 = tpu.memref_slice %arg3[%dma_wait3A_750] : memref<131072000xf32, #tpu.memory_space<hbm>> -> memref<131072000xf32, #tpu.memory_space<hbm>>
    tpu.wait_indirect_dma semaphore(%arg10 : memref<!tpu.dma_semaphore, #tpu.memory_space<semaphore_mem>>) src(%arg9 : memref<128xf32, #tpu.memory_space<vmem>>) dst(%dma_wait3A_751 : memref<131072000xf32, #tpu.memory_space<hbm>>)
    return
  }
}

module attributes {stable_mosaic.version = 14 : i64} {
  func.func @_base_fill_kernel(%arg0: i32, %arg1: memref<4x1x8xi32, #tpu.memory_space<vmem>>, %arg2: memref<4x250x8x128xf32, #tpu.memory_space<vmem>>) attributes {dimension_semantics = [#tpu.dimension_semantics<arbitrary>], iteration_bounds = array<i64: 128>, scalar_prefetch = 0 : i64, scratch_operands = 0 : i64, tpu.core_type = #tpu.core_type<tc>, window_params = [{transform_indices = @transform_0, window_bounds = array<i64: 4, 1, 8>}, {transform_indices = @transform_1, window_bounds = array<i64: 4, 250, 8, 128>}]} {
    %iota3A = tpu.iota {dimensions = array<i32: 1>} : vector<4x250x8x128xi32>
    %mul3A = arith.constant 128 : i32
    %mul3A_0 = vector.broadcast %mul3A : i32 to vector<4x250x8x128xi32>
    %mul3A_1 = arith.muli %iota3A, %mul3A_0 : vector<4x250x8x128xi32>
    %iota3A_2 = tpu.iota {dimensions = array<i32: 3>} : vector<4x250x8x128xi32>
    %add3A = arith.addi %mul3A_1, %iota3A_2 : vector<4x250x8x128xi32>
    %get3A = arith.constant 0 : index
    %get3A_3 = arith.constant 0 : index
    %get3A_4 = arith.constant 0 : index
    %get3A_5 = vector.load %arg1[%get3A, %get3A_3, %get3A_4] : memref<4x1x8xi32, #tpu.memory_space<vmem>>, vector<4x1x8xi32>
    %get3A_6 = vector.shape_cast %get3A_5 : vector<4x1x8xi32> to vector<4x8xi32>
    %broadcast_in_dim3A = vector.shape_cast %get3A_6 : vector<4x8xi32> to vector<4x1x8x1xi32>
    %eq3A = arith.constant 0 : i32
    %eq3A_7 = vector.broadcast %eq3A : i32 to vector<4x250x8x128xi32>
    %eq3A_8 = arith.cmpi eq, %add3A, %eq3A_7 : vector<4x250x8x128xi32>
    %eq3A_9 = arith.constant 0 : i32
    %eq3A_10 = vector.broadcast %eq3A_9 : i32 to vector<4x1x8x1xi32>
    %eq3A_11 = arith.cmpi eq, %broadcast_in_dim3A, %eq3A_10 : vector<4x1x8x1xi32>
    %or3A = vector.broadcast %eq3A_11 : vector<4x1x8x1xi1> to vector<4x250x8x128xi1>
    %or3A_12 = arith.ori %eq3A_8, %or3A : vector<4x250x8x128xi1>
    %jit3A = arith.constant 0.000000e+00 : f32
    %jit3A_13 = arith.constant 3.12519524E-6 : f32
    %broadcast_in_dim3A_14 = vector.broadcast %jit3A : f32 to vector<4x250x8x128xf32>
    %broadcast_in_dim3A_15 = vector.broadcast %jit3A_13 : f32 to vector<4x250x8x128xf32>
    %select_n3A = arith.select %or3A_12, %broadcast_in_dim3A_14, %broadcast_in_dim3A_15 : vector<4x250x8x128xi1>, vector<4x250x8x128xf32>
    %swap3A = arith.constant 0 : index
    %swap3A_16 = arith.constant 0 : index
    %swap3A_17 = arith.constant 0 : index
    %swap3A_18 = arith.constant 0 : index
    %swap3A_19 = vector.load %arg2[%swap3A, %swap3A_16, %swap3A_17, %swap3A_18] : memref<4x250x8x128xf32, #tpu.memory_space<vmem>>, vector<4x250x8x128xf32>
    tpu.vector_store %arg2[%swap3A, %swap3A_16, %swap3A_17, %swap3A_18], %select_n3A {strides = array<i32>} : memref<4x250x8x128xf32, #tpu.memory_space<vmem>>, vector<4x250x8x128xf32>,
    return
  }
  func.func @transform_0(%arg0: i32) -> (i32, i32, i32) {
    %c0_i32 = arith.constant 0 : i32
    %c0_i32_0 = arith.constant 0 : i32
    %c0_i32_1 = arith.constant 0 : i32
    return %arg0, %c0_i32, %c0_i32_0 : i32, i32, i32
  }
  func.func @transform_1(%arg0: i32) -> (i32, i32, i32, i32) {
    %c0_i32 = arith.constant 0 : i32
    %c0_i32_0 = arith.constant 0 : i32
    %c0_i32_1 = arith.constant 0 : i32
    %c0_i32_2 = arith.constant 0 : i32
    return %arg0, %c0_i32, %c0_i32_0, %c0_i32_1 : i32, i32, i32, i32
  }
}

</mosaic_0001>

<sc_bundles>
// kernel: kernel.4.cloned.1.call-start
scs
__scs_entry_jumppad:
0x0: {  	(pc) =	sbr.rel $0x88, $3  }
0x1: {  	(tag) =	ssettag $0x0;
	lr =	simm.s32 $0x1  }
0x2: {  	[smem:$0x3FA0] =	sst lr;
	_ =	strace $0xD0000000  }
0x3: {  	_ = 	snop  }
0x4: {  	_ = 	snop  }
0x5: {  	_ = 	snop  }
0x6: {  	_ = 	snop  }
0x7: {  	_ = 	snop  }
__scs_overlays_trampoline_lowered:
0x8: {  	[smem:$0x3FAF] =	sst s0  }
0x9: {  	[smem:$0x3FB0] =	sst s1  }
0xa: {  	[smem:$0x3FB1] =	sst s2  }
0xb: {  	[smem:$0x3FB2] =	sst s3  }
0xc: {  	[smem:$0x3FB3] =	sst s4  }
0xd: {  	[smem:$0x3FB4] =	sst s5  }
0xe: {  	[smem:$0x3FB5] =	sst s6  }
0xf: {  	[smem:$0x3FB6] =	sst s7  }
0x10: {  	[smem:$0x3FB7] =	sst s8  }
0x11: {  	[smem:$0x3FB8] =	sst s9;
	s0 =	simm.s32 @!p0 $0x0  }
0x12: {  	s1 =	sld [smem:$0x3F9E];
	s0 =	simm.s32 @p0 $0x1  }
0x13: {  	[smem:$0x3FB9] =	sst s0;
	s0 =	simm.s32 @!p1 $0x0  }
0x14: {  	s2 =	sld [smem:$0x3F9D];
	s0 =	simm.s32 @p1 $0x1  }
0x15: {  	[smem:$0x3FBA] =	sst s0;
	s0 =	simm.s32 @!p2 $0x0  }
0x16: {  	s3 =	sld [smem:$0x3FDB];
	s0 =	simm.s32 @p2 $0x1  }
0x17: {  	s4 =	simm.s32 $0x1BF5;
	[smem:$0x3FBC] =	sst s0  }
0x18: {  	s0 =	sld [smem:$0x3F9F];
	_ =	swait.ge [sflag:s4], $0x0  }
0x19: {  	s7 =	sld [smem:$0x3FA0]  }
0x1a: {  	s8 =	sadd.s32 $0xFFFFE003, lr  }
0x1b: {  	s9 =	sadd.s32 $0xFFFFFEF7, lr;
	s5 =	simm.s32 $0xFFFFFFFF;
	p2 =	slt.u32 s8, $0xFFFFF086  }
0x1c: {  	p1 =	slt.u32 s9, $0xF7A;
	s5 =	simm.s32 @!p2 $0x0  }
0x1d: {  	s5 =	simm.s32 @p1 $0x1;
	p0 =	seq.s32 s7, s2  }
0x1e: {  	s7 =	smul.u32 @!p0 $0xF7A, s2;
	p2 =	seq.s32 @!p0 s5, $0x0  }
0x1f: {  	s9 =	smul.u32 $0xF7A, s1;
	s8 =	simm.s32 @!p0 $0x1BF5;
	p2 =	por !p2, p0  }
0x20: {  	[sflag:s8] =	ssyncset.s32 @!p0 $0xFFFFF086;
	s6 =	sadd.s32 @!p0 s3, s7;
	s7 =	simm.s32 @!p0 $0x108  }
0x21: {  	s3 =	sadd.s32 s3, s9;
	s6 =	sadd.s32 @!p0 $0x88, s6;
	s7 =	simm.s32 @p2 $0x1082  }
0x22: {  	[simem:s7], [sflag:s8] =	dma.local @!p0 [hbm:s6], $0xF7A  }
0x23: {  	s9 =	sor.u32 $0xD0000000, s2;
	s6 =	simm.s32 $0x108;
	_ =	swait.ge @!p0 [sflag:s8], $0x0  }
0x24: {  	s3 =	sadd.s32 $0x88, s3;
	s6 =	simm.s32 @!p1 $0x1082;
	[sflag:s4] =	ssyncset.s32 $0xFFFFF086  }
0x25: {  	[simem:s6], [sflag:s4] =	dma.local [hbm:s3], $0xF7A  }
0x26: {  	[smem:$0x3FA0] =	sst s1;
	(tag) =	ssettag s2;
	_ =	strace s9  }
0x27: {  	s1 =	sld [smem:$0x3FB0]  }
0x28: {  	s2 =	sld [smem:$0x3FB1]  }
0x29: {  	s4 =	sld [smem:$0x3FB3]  }
0x2a: {  	p0 =	seq.s32 s5, $0x0;
	s5 =	sld [smem:$0x3FB4]  }
0x2b: {  	s6 =	sld [smem:$0x3FB5]  }
0x2c: {  	s7 =	sld [smem:$0x3FB6]  }
0x2d: {  	s3 =	simm.s32 $0x108;
	s8 =	sld [smem:$0x3FB7]  }
0x2e: {  	s3 =	simm.s32 @!p0 $0x1082;
	s9 =	sld [smem:$0x3FB8]  }
0x2f: {  	lr =	sadd.s32 s0, s3;
	s0 =	sld [smem:$0x3FAF]  }
0x30: {  	s3 =	sld [smem:$0x3FB2]  }
0x31: {  	[smem:$0x3FBB] =	sst s10  }
0x32: {  	s10 =	sld [smem:$0x3FB9];
	_ =	sdelay $0x3  }
0x33: {  	p0 =	seq.s32 s10, $0x1;
	s10 =	sld [smem:$0x3FBB];
	_ =	sdelay $0x3  }
0x34: {  	[smem:$0x3FBB] =	sst s10  }
0x35: {  	s10 =	sld [smem:$0x3FBA];
	_ =	sdelay $0x3  }
0x36: {  	p1 =	seq.s32 s10, $0x1;
	s10 =	sld [smem:$0x3FBB];
	_ =	sdelay $0x3  }
0x37: {  	[smem:$0x3FBB] =	sst s10  }
0x38: {  	s10 =	sld [smem:$0x3FBC]  }
0x39: {  	_ = 	snop;
	(pc) =	sbr.ind lr, $3  }
0x3a: {  	_ = 	snop  }
0x3b: {  	_ = 	snop  }
0x3c: {  	p2 =	seq.s32 s10, $0x1;
	s10 =	sld [smem:$0x3FBB]  }
0x3d: {  	_ =	shalt  }
0x3e: {  	_ =	shalt  }
0x3f: {  	_ =	shalt  }
0x40: {  	_ =	shalt  }
0x41: {  	_ =	shalt  }
0x42: {  	_ =	shalt  }
0x43: {  	_ =	shalt  }
0x44: {  	_ =	shalt  }
0x45: {  	_ =	shalt  }
0x46: {  	_ =	shalt  }
0x47: {  	_ =	shalt  }
0x48: {  	_ =	shalt  }
0x49: {  	_ =	shalt  }
0x4a: {  	_ =	shalt  }
0x4b: {  	_ =	shalt  }
0x4c: {  	_ =	shalt  }
0x4d: {  	_ =	shalt  }
0x4e: {  	_ =	shalt  }
0x4f: {  	_ =	shalt  }
0x50: {  	_ =	shalt  }
0x51: {  	_ =	shalt  }
0x52: {  	_ =	shalt  }
0x53: {  	_ =	shalt  }
0x54: {  	_ =	shalt  }
0x55: {  	_ =	shalt  }
0x56: {  	_ =	shalt  }
0x57: {  	_ =	shalt  }
0x58: {  	_ =	shalt  }
0x59: {  	_ =	shalt  }
0x5a: {  	_ =	shalt  }
0x5b: {  	_ =	shalt  }
0x5c: {  	_ =	shalt  }
0x5d: {  	_ =	shalt  }
0x5e: {  	_ =	shalt  }
0x5f: {  	_ =	shalt  }
0x60: {  	_ =	shalt  }
0x61: {  	_ =	shalt  }
0x62: {  	_ =	shalt  }
0x63: {  	_ =	shalt  }
0x64: {  	_ =	shalt  }
0x65: {  	_ =	shalt  }
0x66: {  	_ =	shalt  }
0x67: {  	_ =	shalt  }
0x68: {  	_ =	shalt  }
0x69: {  	_ =	shalt  }
0x6a: {  	_ =	shalt  }
0x6b: {  	_ =	shalt  }
0x6c: {  	_ =	shalt  }
0x6d: {  	_ =	shalt  }
0x6e: {  	_ =	shalt  }
0x6f: {  	_ =	shalt  }
0x70: {  	_ =	shalt  }
0x71: {  	_ =	shalt  }
0x72: {  	_ =	shalt  }
0x73: {  	_ =	shalt  }
0x74: {  	_ =	shalt  }
0x75: {  	_ =	shalt  }
0x76: {  	_ =	shalt  }
0x77: {  	_ =	shalt  }
0x78: {  	_ =	shalt  }
0x79: {  	_ =	shalt  }
0x7a: {  	_ =	shalt  }
0x7b: {  	_ =	shalt  }
0x7c: {  	_ =	shalt  }
0x7d: {  	_ =	shalt  }
0x7e: {  	_ =	shalt  }
0x7f: {  	_ =	shalt  }
0x80: {  	_ =	shalt  }
0x81: {  	_ =	shalt  }
0x82: {  	_ =	shalt  }
0x83: {  	_ =	shalt  }
0x84: {  	_ =	shalt  }
0x85: {  	_ =	shalt  }
0x86: {  	_ =	shalt  }
0x87: {  	_ =	shalt  }
.Lfunc_end0:
.L_simem_size_0:
called_computation_lowered:
.L_overlay_start_0:
0x88: {  	s0 =	sld [smem:$0x3FD9]  }
0x89: {  	s1 =	sld [smem:$0x3FFE];
	_ =	sdelay $0x3  }
0x8a: {  	s0 =	sadd.s32 s1, s0  }
0x8b: {  	[smem:$0x3FC7] =	sst s0  }
0x8c: {  	_ = 	snop  }
0x8d: {  	s0 =	sld [smem:$0x3FC9]  }
0x8e: {  	s17 =	sld [smem:$0x3FD0];
	(tm) =	ssettm $0x1  }
0x8f: {  	s2 =	sld [smem:$0x3FFB];
	_ =	sdelay $0x3  }
0x90: {  	_ =	strace s2  }
0x91: {  	s2 =	sld [smem:$0x3FFC];
	_ =	sdelay $0x3  }
0x92: {  	_ =	strace s2  }
0x93: {  	s2 =	sld [smem:$0x3FFD];
	_ =	sdelay $0x3  }
0x94: {  	_ =	strace s2  }
0x95: {  	_ =	strace $0x8FFFFFFF  }
0x96: {  	s18 =	sld [smem:$0x3FDB];
	_ =	sdelay $0x1  }
0x97: {  	s3 =	simm.s32 $_scs_section_size  }
0x98: {  	s4 =	simm.s32 $_size__tile_overlayer_lowered;
	s5 =	simm.s32 $_tile_overlayer_lowered  }
0x99: {  	s21 =	simm.s32 $0x1BFF;
	s20 =	sshll.u32 s5, $0x1;
	s2 =	sadd.s32 s3, s18  }
0x9a: {  	s6 =	simm.s32 $0x0;
	s19 =	sshll.u32 s4, $0x1;
	s4 =	sadd.s32 s20, s2  }
0x9b: {  	[timem:s6], [sflag:s21] =	dma.local [hbm:s4], s19  }
0x9c: {  	_ =	swait.ge [sflag:s21], s19  }
0x9d: {  	s3 =	ssub.s32 $0x0, s19;
	[sflag:s21] =	ssyncset.done $0x0  }
0x9e: {  	[sflag:s21] =	ssyncadd.s32 s3;
	_ =	sdelay $0x1  }
0x9f: {  	s22 =	simm.s32 $0x1B8B  }
0xa0: {  	_ =	swait.ge [sflag:s22], $0x1  }
0xa1: {  	[sflag:s22] =	ssyncset.done $0x0  }
0xa2: {  	s23 =	simm.s32 $0x1B8E;
	[sflag:s22] =	ssyncadd.s32 $0xFFFFFFFF  }
0xa3: {  	s24 =	simm.s32 $execute0_lowered;
	[smem:$0x3FD2] =	sst s23  }
0xa4: {  	s3 =	sshll.u32 s24, $0x1;
	_ =	strace $0x80000046;
	[dreg:$0x1] =	wrdreg $0xFFFFFFFF  }
0xa5: {  	s25 =	simm.s32 $_size_execute0_lowered;
	s2 =	sadd.s32 s2, s3;
	[dreg:$0x0] =	wrdreg $0x0  }
0xa6: {  	s3 =	sshll.u32 s25, $0x1;
	[dreg:$0x2] =	wrdreg s2  }
0xa7: {  	[dreg:$0x3] =	wrdreg s3  }
0xa8: {  	[dreg:$0x4] =	wrdreg $0xC0  }
0xa9: {  	_ =	task [dreg:s6], $0x5FFFF  }
0xaa: {  	[dreg:$0x1] =	wrdreg $0xFFFFFFFF  }
0xab: {  	[dreg:$0x0] =	wrdreg $0x60  }
0xac: {  	[dreg:$0x2] =	wrdreg s0  }
0xad: {  	[dreg:$0x3] =	wrdreg s17  }
0xae: {  	[dreg:$0x4] =	wrdreg $0x9  }
0xaf: {  	_ =	task.clear_ibuf [dreg:s6], $0x5FFFF;
	_ =	strace $0x90000046  }
0xb0: {  	s26 =	simm.s32 $0x9;
	_ =	strace $0x80000048  }
0xb1: {  	_ =	swait.ge [sflag:s26], $0x1  }
0xb2: {  	[sflag:s26] =	ssyncadd.s32 $0xFFFFFFFF  }
0xb3: {  	_ =	strace $0x90000048  }
0xb4: {  	_ =	sfence  }
0xb5: {  	s28 =	sld [smem:$0x0];
	_ =	sdelay $0x1  }
0xb6: {  	s29 =	srdreg.scid  }
0xb7: {  	s30 =	sshll.u32 s29, $0xD;
	s31 =	sshrl.u32 s29, $0x2  }
0xb8: {  	s1 =	sand.u32 $0x1, s29;
	s2 =	sand.u32 $0x4000, s30;
	s0 =	sadd.s32 s31, s28  }
0xb9: {  	s1 =	sor.u32 s2, s1;
	s0 =	sshll.u32 s0, $0x11  }
0xba: {  	s0 =	sor.u32 s0, s1  }
0xbb: {  	s0 =	sadd.s32 $0x8F2B, s0  }
0xbc: {  	[sflag:s0] =	ssyncadd.remote.s32 $0x1  }
0xbd: {  	_ =	sfence.sel $0xFFFF  }
0xbe: {  	[dreg:$0x0] =	wrdreg $0xFFFFFFFF;
	(pc) =	sbr.abs _section_cstart, $3  }
0xbf: {  	[dreg:$0x1] =	wrdreg $0xFFFFFFFF  }
0xc0: {  	_ =	task.clear_ibuf [dreg:s6], $0x2FFFF;
	_ =	strace $0x9FFFFFFF  }
0xc1: {  	(tm) =	ssettm $0x7FFFFFFF  }
tec
execute0_lowered:
.L_overlay_start_1:
0x0: {  	(tag) =	ssettag $0x1  }
0x1: {  	s0 =	stileid.u32  }
0x2: {  	v0 =	vlaneseq.u32;
	s4 =	rddreg [dreg:$0x0];
	s3 =	sshll.u32 s0, $0x8  }
0x3: {  	s2 =	rddreg [dreg:$0x1];
	s7 =	simm.s32 $0x0;
	v1 =	vor.u32 s3, v0  }
0x4: {  	s1 =	sor.u32 $0x10, s3;
	s5 =	sor.u32 $0x20, s3;
	s6 =	sor.u32 $0x30, s3;
	v1 =	vshrl.u32 v1, $0x3  }
0x5: {  	s12 =	sor.u32 $0x40, s3;
	s14 =	sor.u32 $0x50, s3;
	s15 =	sor.u32 $0x60, s3;
	v2 =	vor.u32 s1, v0;
	v3 =	vor.u32 s5, v0;
	v4 =	vor.u32 s6, v0  }
0x6: {  	s16 =	sor.u32 $0x70, s3;
	s18 =	sor.u32 $0x80, s3;
	s19 =	sor.u32 $0x90, s3;
	v22 =	vor.u32 s12, v0;
	v5 =	vor.u32 s14, v0;
	v24 =	vor.u32 s15, v0  }
0x7: {  	s20 =	sor.u32 $0xA0, s3;
	s21 =	sor.u32 $0xB0, s3;
	s22 =	sor.u32 $0xC0, s3;
	v26 =	vor.u32 s16, v0;
	v28 =	vor.u32 s18, v0;
	v30 =	vor.u32 s19, v0  }
0x8: {  	s23 =	sor.u32 $0xD0, s3;
	s24 =	sor.u32 $0xE0, s3;
	s3 =	sor.u32 $0xF0, s3;
	v32 =	vor.u32 s20, v0;
	v34 =	vor.u32 s21, v0;
	v36 =	vor.u32 s22, v0  }
0x9: {  	s17 =	simm.s32 $0x2;
	[smem:$0x7FF] =	sst s7;
	s13 =	sshll.u32 s0, $0x5;
	v38 =	vor.u32 s23, v0;
	v18 =	vor.u32 s24, v0;
	v19 =	vor.u32 s3, v0  }
0xa: {  	s4 =	sadd.s32 s4, s13;
	s1 =	rddreg [dreg:$0x2];
	_ =	strace $0x80000047;
	v0 =	vand.u32 $0x7, v0;
	v2 =	vshrl.u32 v2, $0x3;
	v1 =	vmul.u32 $0xFA, v1  }
0xb: {  	v3 =	vshrl.u32 v3, $0x3;
	v4 =	vshrl.u32 v4, $0x3;
	[tilespmem:s7], [sflag:$0x2] =	stream.linear.gather [hbm4b:s4+s7], $0x100, $0x38;
	v23 =	vshrl.u32 v5, $0x3;
	[tilespmem:$0x300] =	vst v63  }
0xc: {  	v25 =	vshrl.u32 v24, $0x3;
	v27 =	vshrl.u32 v26, $0x3;
	v29 =	vshrl.u32 v28, $0x3;
	_ =	swait.ge [sflag:s17], $0x100  }
0xd: {  	v31 =	vshrl.u32 v30, $0x3;
	v33 =	vshrl.u32 v32, $0x3;
	v35 =	vshrl.u32 v34, $0x3;
	[sflag:s17] =	ssyncset.done $0x0  }
0xe: {  	v37 =	vshrl.u32 v36, $0x3;
	v39 =	vshrl.u32 v38, $0x3;
	v40 =	vshrl.u32 v18, $0x3;
	[sflag:s17] =	ssyncadd.s32 $0xFFFFFF00  }
0xf: {  	v0 =	vmul.u32 $0x80, v0;
	v60 =	vshrl.u32 v19, $0x3;
	v6 =	vmul.u32 $0xFA, v2;
	v14 =	vld [tilespmem:$0x0]  }
0x10: {  	v7 =	vmul.u32 $0xFA, v3;
	v8 =	vmul.u32 $0xFA, v4;
	v2 =	vshrl.u32 v22, $0x3;
	v17 =	vld [tilespmem:$0x10]  }
0x11: {  	v10 =	vmul.u32 $0xFA, v23;
	v11 =	vmul.u32 $0xFA, v25;
	v12 =	vmul.u32 $0xFA, v27;
	v42 =	vld [tilespmem:$0x20]  }
0x12: {  	v13 =	vmul.u32 $0xFA, v29;
	v15 =	vmul.u32 $0xFA, v31;
	v16 =	vmul.u32 $0xFA, v33;
	v21 =	vld [tilespmem:$0x30]  }
0x13: {  	v5 =	vmul.u32 $0xFA, v35;
	v4 =	vmul.u32 $0xFA, v37;
	v3 =	vmul.u32 $0xFA, v39;
	v23 =	vld [tilespmem:$0x40]  }
0x14: {  	v9 =	vmul.u32 $0xFA, v2;
	v2 =	vmul.u32 $0xFA, v40;
	v24 =	vld [tilespmem:$0x50];
	v41 =	vshrl.u32 v14, $0x7  }
0x15: {  	v49 =	vld [tilespmem:$0x60];
	v20 =	vand.u32 $0x7F, v14;
	v22 =	vshrl.u32 v17, $0x7;
	vm0 =	veq.s32 v14, $0x0  }
0x16: {  	v54 =	vld [tilespmem:$0x70];
	v43 =	vand.u32 $0x7F, v17;
	vm13 =	veq.s32 v17, $0x0;
	v44 =	vshrl.u32 v42, $0x7  }
0x17: {  	v58 =	vld [tilespmem:$0x80];
	v46 =	vshrl.u32 v21, $0x7;
	v25 =	vand.u32 $0x7F, v42;
	v47 =	vand.u32 $0x7F, v21  }
0x18: {  	v63 =	vld [tilespmem:$0x90];
	vm14 =	veq.s32 v42, $0x0;
	v48 =	vshrl.u32 v23, $0x7;
	vm15 =	veq.s32 v21, $0x0  }
0x19: {  	v31 =	vld [tilespmem:$0xA0];
	v51 =	vand.u32 $0x7F, v23;
	v52 =	vshrl.u32 v24, $0x7;
	vm4 =	veq.s32 v23, $0x0  }
0x1a: {  	v55 =	vand.u32 $0x7F, v24;
	v56 =	vshrl.u32 v49, $0x7;
	vm5 =	veq.s32 v24, $0x0  }
0x1b: {  	v59 =	vand.u32 $0x7F, v49;
	v61 =	vshrl.u32 v54, $0x7;
	vm6 =	veq.s32 v49, $0x0  }
0x1c: {  	v24 =	vand.u32 $0x7F, v54;
	v26 =	vshrl.u32 v58, $0x7;
	vm7 =	veq.s32 v54, $0x0  }
0x1d: {  	v30 =	vand.u32 $0x7F, v58;
	v33 =	vshrl.u32 v63, $0x7;
	vm8 =	veq.s32 v58, $0x0  }
0x1e: {  	v34 =	vld [tilespmem:$0xB0];
	v36 =	vand.u32 $0x7F, v63;
	v38 =	vshrl.u32 v31, $0x7;
	v1 =	vadd.s32 v1, v41  }
0x1f: {  	vm9 =	veq.s32 v63, $0x0;
	v42 =	vand.u32 $0x7F, v31;
	v1 =	vshll.u32 v1, $0xA  }
0x20: {  	v39 =	vld [tilespmem:$0xC0];
	vm10 =	veq.s32 v31, $0x0;
	v6 =	vadd.s32 v6, v22;
	v20 =	vor.u32 v20, v1  }
0x21: {  	v6 =	vshll.u32 v6, $0xA;
	v1 =	vimm.f32 $8.999999760e-01;
	v20 =	vor.u32 v0, v20  }
0x22: {  	v7 =	vadd.s32 v7, v44;
	v6 =	vor.u32 v43, v6;
	v14 =	vsel vm0, $0x0, v1;
	[tilespmem:$0x100] =	vst v20  }
0x23: {  	vm11 =	veq.s32 v34, $0x0;
	v7 =	vshll.u32 v7, $0xA;
	v6 =	vor.u32 v0, v6;
	[tilespmem:$0x200] =	vst v14  }
0x24: {  	v8 =	vadd.s32 v8, v46;
	v7 =	vor.u32 v25, v7;
	v45 =	vsel vm13, $0x0, v1;
	[tilespmem:$0x110] =	vst v6  }
0x25: {  	vm12 =	veq.s32 v39, $0x0;
	v8 =	vshll.u32 v8, $0xA;
	v7 =	vor.u32 v0, v7;
	[tilespmem:$0x210] =	vst v45  }
0x26: {  	v9 =	vadd.s32 v9, v48;
	v8 =	vor.u32 v47, v8;
	v50 =	vsel vm14, $0x0, v1;
	[tilespmem:$0x120] =	vst v7  }
0x27: {  	v10 =	vadd.s32 v10, v52;
	v9 =	vshll.u32 v9, $0xA;
	v8 =	vor.u32 v0, v8;
	[tilespmem:$0x220] =	vst v50  }
0x28: {  	v11 =	vadd.s32 v11, v56;
	v9 =	vor.u32 v51, v9;
	v53 =	vsel vm15, $0x0, v1;
	[tilespmem:$0x130] =	vst v8  }
0x29: {  	v12 =	vadd.s32 v12, v61;
	v10 =	vshll.u32 v10, $0xA;
	v27 =	vor.u32 v0, v9;
	[tilespmem:$0x230] =	vst v53  }
0x2a: {  	v28 =	vadd.s32 v13, v26;
	v10 =	vor.u32 v55, v10;
	v57 =	vsel vm4, $0x0, v1;
	[tilespmem:$0x140] =	vst v27  }
0x2b: {  	v40 =	vadd.s32 v16, v38;
	v11 =	vshll.u32 v11, $0xA;
	v10 =	vor.u32 v0, v10;
	[tilespmem:$0x240] =	vst v57  }
0x2c: {  	v46 =	vand.u32 $0x7F, v34;
	v11 =	vor.u32 v59, v11;
	v62 =	vsel vm5, $0x0, v1;
	[tilespmem:$0x150] =	vst v10  }
0x2d: {  	v22 =	vshll.u32 v12, $0xA;
	v41 =	vshll.u32 v40, $0xA;
	v11 =	vor.u32 v0, v11;
	[tilespmem:$0x250] =	vst v62  }
0x2e: {  	v43 =	vshrl.u32 v34, $0x7;
	v47 =	vshrl.u32 v39, $0x7;
	v29 =	vsel vm6, $0x0, v1;
	[tilespmem:$0x160] =	vst v11  }
0x2f: {  	v9 =	vshll.u32 v28, $0xA;
	v35 =	vsel vm7, $0x0, v1;
	v37 =	vsel vm8, $0x0, v1;
	[tilespmem:$0x260] =	vst v29  }
0x30: {  	v44 =	vsel vm9, $0x0, v1;
	v5 =	vadd.s32 v5, v43;
	v49 =	vsel vm10, $0x0, v1;
	[tilespmem:$0x270] =	vst v35  }
0x31: {  	v48 =	vld [tilespmem:$0xE0];
	v4 =	vadd.s32 v4, v47;
	v51 =	vsel vm11, $0x0, v1;
	v56 =	vsel vm12, $0x0, v1;
	[tilespmem:$0x280] =	vst v37  }
0x32: {  	v7 =	vor.u32 v24, v22;
	v6 =	vmul.u32 $0xFA, v60;
	v32 =	vor.u32 v30, v9;
	[tilespmem:$0x290] =	vst v44  }
0x33: {  	v9 =	vadd.s32 v15, v33;
	v5 =	vshll.u32 v5, $0xA;
	v4 =	vshll.u32 v4, $0xA;
	[tilespmem:$0x2A0] =	vst v49  }
0x34: {  	v50 =	vand.u32 $0x7F, v39;
	[tilespmem:$0x2B0] =	vst v51;
	v7 =	vor.u32 v0, v7;
	v8 =	vor.u32 v0, v32  }
0x35: {  	v45 =	vld [tilespmem:$0xD0];
	[tilespmem:$0x2C0] =	vst v56;
	v9 =	vshll.u32 v9, $0xA;
	v5 =	vor.u32 v46, v5;
	v4 =	vor.u32 v50, v4  }
0x36: {  	v53 =	vld [tilespmem:$0xF0];
	v55 =	vshrl.u32 v48, $0x7;
	v57 =	vand.u32 $0x7F, v48;
	vm14 =	veq.s32 v48, $0x0;
	[tilespmem:$0x170] =	vst v7  }
0x37: {  	v9 =	vor.u32 v36, v9;
	v7 =	vor.u32 v42, v41;
	[tilespmem:$0x180] =	vst v8;
	v5 =	vor.u32 v0, v5  }
0x38: {  	v4 =	vor.u32 v0, v4;
	v2 =	vadd.s32 v2, v55;
	v62 =	vsel vm14, $0x0, v1;
	[tilespmem:$0x1B0] =	vst v5  }
0x39: {  	v9 =	vor.u32 v0, v9;
	v7 =	vor.u32 v0, v7;
	[tilespmem:$0x1C0] =	vst v4;
	v2 =	vshll.u32 v2, $0xA  }
0x3a: {  	[tilespmem:$0x2E0] =	vst v62;
	v2 =	vor.u32 v57, v2;
	v52 =	vshrl.u32 v45, $0x7;
	v54 =	vand.u32 $0x7F, v45  }
0x3b: {  	[tilespmem:$0x190] =	vst v9;
	vm13 =	veq.s32 v45, $0x0;
	v58 =	vshrl.u32 v53, $0x7;
	v3 =	vadd.s32 v3, v52  }
0x3c: {  	[tilespmem:$0x1A0] =	vst v7;
	v2 =	vor.u32 v0, v2;
	v61 =	vand.u32 $0x7F, v53;
	v3 =	vshll.u32 v3, $0xA  }
0x3d: {  	v59 =	vsel vm13, $0x0, v1;
	v4 =	vadd.s32 v6, v58;
	[tilespmem:$0x1E0] =	vst v2;
	v3 =	vor.u32 v54, v3  }
0x3e: {  	vm15 =	veq.s32 v53, $0x0;
	[tilespmem:$0x2D0] =	vst v59;
	v60 =	vshll.u32 v4, $0xA;
	v3 =	vor.u32 v0, v3  }
0x3f: {  	v63 =	vsel vm15, $0x0, v1;
	[tilespmem:$0x1D0] =	vst v3;
	v3 =	vor.u32 v61, v60  }
0x40: {  	[tilespmem:$0x2F0] =	vst v63;
	v0 =	vor.u32 v0, v3  }
0x41: {  	s25 =	simm.s32 $0x80;
	s26 =	simm.s32 $0x100;
	s28 =	simm.s32 $0x200;
	[tilespmem:$0x1F0] =	vst v0  }
0x42: {  	[hbm4b:s2+s25] =	stream.indirect.scatter [tilespmem:s28], [sflag:$0x1], $0x1, s26, s25, $0xb8;
	[tilespmem:$0x300] =	vst v63  }
0x43: {  	s29 =	simm.s32 $0x180;
	s30 =	simm.s32 $0x280;
	s31 =	simm.s32 $0x1  }
0x44: {  	[hbm4b:s2+s25] =	stream.indirect.scatter [tilespmem:s30], [sflag:$0x1], $0x1, s29, s25, $0xb8;
	[tilespmem:$0x300] =	vst v63  }
0x45: {  	_ =	swait.ge [sflag:s31], $0x80  }
0x46: {  	[sflag:s31] =	ssyncset.done $0x0  }
0x47: {  	[sflag:s31] =	ssyncadd.s32 $0xFFFFFF80  }
0x48: {  	_ =	swait.ge [sflag:s31], $0x80  }
0x49: {  	[sflag:s31] =	ssyncset.done $0x0  }
0x4a: {  	[sflag:s31] =	ssyncadd.s32 $0xFFFFFF80  }
0x4b: {  	_ =	sfence.sel $0x180000  }
0x4c: {  	[bflag:$0x0] =	sbarrier.arrive $0xFFFF  }
0x4d: {  	p0 =	sne.s32 s0, $0x0;
	_ =	strace $0x90000047  }
0x4e: {  	s0 =	sadd.s32 @!p0 $0x100000, s1;
	[bflag:$0x2] =	sbarrier.arrive $0xFFFF  }
0x4f: {  	[sflag:s0] =	ssyncadd.tile.s32 @!p0 $0x1;
	_ =	shalt  }
.Lfunc_end2:
_tile_overlayer_lowered:
.L_overlay_start_2:
0x50: {  	(tag) =	ssettag $0x2  }
0x51: {  	s0 =	rddreg [dreg:$0x0];
	s2 =	stileid.u32  }
0x52: {  	s1 =	rddreg [dreg:$0x1];
	p0 =	sne.s32 s2, $0x0  }
0x53: {  	s3 =	rddreg [dreg:$0x2];
	[bflag:$0x3] =	sbarrier.arrive $0xFFFF;
	s2 =	simm.s32 @!p0 $0x1C02  }
0x54: {  	[timem:s3], [sflag:s2] =	dma.local @!p0 [hbm:s0], s1  }
0x55: {  	s0 =	simm.s32 @!p0 $0x2  }
0x56: {  	_ =	swait.ge @!p0 [sflag:s0], s1  }
0x57: {  	s1 =	ssub.s32 @!p0 $0x0, s1;
	[sflag:s0] =	ssyncset.done @!p0 $0x0  }
0x58: {  	[sflag:s0] =	ssyncadd.s32 @!p0 s1  }
0x59: {  	[bflag:$0x3] =	sbarrier.arrive $0xFFFF  }
0x5a: {  	_ =	shalt  }

</sc_bundles>
